<compile_context>
chip_gen: v7x
topology: tpu7x:2x2x1
jax: 0.10.2.dev20260603
libtpu: 0.0.44.dev20260713+nightly
codegen_flags: <defaults>
</compile_context>

<pallas_src>
import functools

import jax
import jax.numpy as jnp
from jax import lax
from jax.experimental import pallas as pl
from jax.experimental.pallas import tpu as pltpu, tpu_sc as plsc

_PI = 3.1415926



def _nodestats_body(n, bn, f_ref, p_ref, of_ref, og_ref, op_ref, os_ref):
    i = pl.program_id(0)
    f = f_ref[...]
    p = p_ref[...]
    t = f.shape[1]
    rows = i * bn + lax.broadcasted_iota(jnp.int32, (bn,), 0)
    m = rows < n
    zero = jnp.zeros((bn,), jnp.float32)
    of_ref[...] = jnp.where(m, jnp.sum(f, axis=1), zero)
    og_ref[...] = jnp.where(m, f[:, t - 1] - f[:, 0], zero)
    op_ref[...] = jnp.where(m, jnp.sum(p, axis=1), zero)
    os_ref[...] = jnp.where(m, jnp.sum(f * f, axis=1), zero)


def _node_stats(flowrate, pressure, n_pad):
    n, t = flowrate.shape
    bn = 2048
    grid = (n_pad // bn,)
    return pl.pallas_call(
        functools.partial(_nodestats_body, n, bn),
        grid=grid,
        in_specs=[
            pl.BlockSpec((bn, t), lambda i: (i, 0)),
            pl.BlockSpec((bn, t), lambda i: (i, 0)),
        ],
        out_specs=[pl.BlockSpec((bn,), lambda i: (i,))] * 4,
        out_shape=[jax.ShapeDtypeStruct((n_pad,), jnp.float32)] * 4,
    )(flowrate, pressure)



def _edge_body(n_pad, epw, ch, ft_h, gt_h, pt_h, src_h, dst_h, ln_h, dm_h,
               part_out, laste_out,
               ft_v, gt_v, pt_v, lt_v, sb, db, lb, mb, accb, sem):
    c = lax.axis_index("c")
    s = lax.axis_index("s")
    nc = lax.axis_size("c")
    wid = s * nc + c
    ebase = wid * epw
    lane = lax.iota(jnp.int32, 16)

    cps = [
        pltpu.async_copy(ft_h, ft_v, sem),
        pltpu.async_copy(gt_h, gt_v, sem),
        pltpu.async_copy(pt_h, pt_v, sem),
        pltpu.async_copy(src_h.at[pl.ds(ebase, epw)], sb, sem),
        pltpu.async_copy(dst_h.at[pl.ds(ebase, epw)], db, sem),
        pltpu.async_copy(ln_h.at[pl.ds(ebase, epw)], lb, sem),
        pltpu.async_copy(dm_h.at[pl.ds(ebase, epw)], mb, sem),
    ]

    def init_body(j, _):
        lt_v[pl.ds(j * 16, 16)] = jnp.full((16,), -1, jnp.int32)
        return 0
    lax.fori_loop(0, n_pad // 16, init_body, 0)

    for cp in cps:
        cp.wait()

    av = jnp.zeros((16,), jnp.float32)
    au = jnp.zeros((16,), jnp.float32)
    ap = jnp.zeros((16,), jnp.float32)

    for cki in range(epw // ch):
        unroll = 2

        def group_body(it, carry, _cki=cki):
            av, au, ap = carry
            for u in range(unroll):
                g = it * unroll + u
                sl = pl.ds(g * 16, 16)
                si = sb[sl]
                di = db[sl]
                ln = lb[sl]
                dm = mb[sl]
                fs = plsc.load_gather(ft_v, [si])
                fd = plsc.load_gather(ft_v, [di])
                gs = plsc.load_gather(gt_v, [si])
                gd = plsc.load_gather(gt_v, [di])
                ps = plsc.load_gather(pt_v, [si])
                pd = plsc.load_gather(pt_v, [di])
                d2 = dm * dm
                d4 = d2 * d2
                av = av + ln / d4 * (fs - fd)
                au = au + ln / d2 * (gs - gd)
                ap = ap + (ps - pd)
                e = (ebase + _cki * ch + g * 16) + lane
                plsc.store_scatter(lt_v, [di], e)
            return av, au, ap

        av, au, ap = lax.fori_loop(0, ch // 16 // unroll, group_body,
                                   (av, au, ap))

    accb[0, :] = av
    accb[1, :] = au
    accb[2, :] = ap
    accb[3, :] = jnp.zeros((16,), jnp.float32)
    pltpu.sync_copy(accb, part_out.at[wid])
    pltpu.sync_copy(lt_v, laste_out.at[wid])



def _merge_body(n, nsl, nw, laste_hbm, sq_h, dm_h, kin_out,
                l_v, ml_v, wi_v, dm_v, sq_v, ob, sem):
    c = lax.axis_index("c")
    s = lax.axis_index("s")
    nc = lax.axis_size("c")
    wid = s * nc + c
    nbase = wid * nsl
    lane = lax.iota(jnp.int32, 16)

    pltpu.sync_copy(laste_hbm.at[:, pl.ds(nbase, nsl)], l_v)
    pltpu.sync_copy(sq_h.at[pl.ds(nbase, nsl)], sq_v)

    def mbody(j, _):
        sl = pl.ds(j * 16, 16)
        ml = l_v[0, sl]
        for ti in range(1, nw):
            ml = jnp.maximum(ml, l_v[ti, sl])
        ml_v[sl] = ml
        wi_v[sl] = jnp.maximum(ml, 0)
        return 0
    lax.fori_loop(0, nsl // 16, mbody, 0)

    pick0 = (lane == 0) & (wid == 0)
    v0 = ml_v[pl.ds(0, 16)]
    ml_v[pl.ds(0, 16)] = jnp.where(pick0, v0[1], v0)
    w0 = wi_v[pl.ds(0, 16)]
    wi_v[pl.ds(0, 16)] = jnp.where(pick0, w0[1], w0)

    pltpu.async_copy(dm_h.at[wi_v], dm_v, sem).wait()

    def kbody(j, acc):
        sl = pl.ds(j * 16, 16)
        d = jnp.where(ml_v[sl] < 0, jnp.full((16,), 1.0, jnp.float32),
                      dm_v[sl])
        sq = sq_v[sl]
        d2 = d * d
        return acc + sq / (d2 * d2)
    acc = lax.fori_loop(0, nsl // 16, kbody, jnp.zeros((16,), jnp.float32))
    ob[...] = acc
    pltpu.sync_copy(ob, kin_out.at[wid])



def kernel(flowrate, pressure, edge_attr, edge_index, rho, vis, total_time):
    n, t = flowrate.shape
    e = edge_index.shape[1]

    info = plsc.get_sparse_core_info()
    nc, ns = info.num_cores, info.num_subcores
    nw = nc * ns
    n_pad = ((n + nw * 16 - 1) // (nw * 16)) * (nw * 16)
    epw = e // nw
    ch = epw
    nsl = n_pad // nw

    src = edge_index[0]
    dst = edge_index[1]
    ln = edge_attr[:, 0]
    dm = edge_attr[:, 1]

    ft, gt, pt, sq = _node_stats(flowrate, pressure, n_pad)

    mesh = plsc.VectorSubcoreMesh(core_axis_name="c", subcore_axis_name="s")
    sc_params = pltpu.CompilerParams(needs_layout_passes=False,
                                     use_tc_tiling_on_sc=False)

    edge_k = functools.partial(
        pl.kernel,
        out_type=(
            jax.ShapeDtypeStruct((nw, 4, 16), jnp.float32),
            jax.ShapeDtypeStruct((nw, n_pad), jnp.int32),
        ),
        mesh=mesh,
        scratch_types=[
            pltpu.VMEM((n_pad,), jnp.float32),
            pltpu.VMEM((n_pad,), jnp.float32),
            pltpu.VMEM((n_pad,), jnp.float32),
            pltpu.VMEM((n_pad,), jnp.int32),
            pltpu.VMEM((ch,), jnp.int32),
            pltpu.VMEM((ch,), jnp.int32),
            pltpu.VMEM((ch,), jnp.float32),
            pltpu.VMEM((ch,), jnp.float32),
            pltpu.VMEM((4, 16), jnp.float32),
            pltpu.SemaphoreType.DMA,
        ],
        compiler_params=sc_params,
    )(functools.partial(_edge_body, n_pad, epw, ch))
    part, laste_tbls = edge_k(ft, gt, pt, src, dst, ln, dm)

    merge_k = functools.partial(
        pl.kernel,
        out_type=jax.ShapeDtypeStruct((nw, 16), jnp.float32),
        mesh=mesh,
        scratch_types=[
            pltpu.VMEM((nw, nsl), jnp.int32),
            pltpu.VMEM((nsl,), jnp.int32),
            pltpu.VMEM((nsl,), jnp.int32),
            pltpu.VMEM((nsl,), jnp.float32),
            pltpu.VMEM((nsl,), jnp.float32),
            pltpu.VMEM((16,), jnp.float32),
            pltpu.SemaphoreType.DMA,
        ],
        compiler_params=sc_params,
    )(functools.partial(_merge_body, n, nsl, nw))
    kin_part = merge_k(laste_tbls, sq, dm)

    s_vis = jnp.sum(part[:, 0, :])
    s_uns = jnp.sum(part[:, 1, :])
    s_p = jnp.sum(part[:, 2, :])
    s_kin = jnp.sum(kin_part)

    rho0 = rho[0]
    loss = (16.0 * rho0 / (_PI * _PI)) * s_kin / (n * t)
    loss = loss + (128.0 * vis[0] / _PI) * s_vis / (e * t)
    loss = loss + (4.0 * rho0 / (_PI * total_time[0])) * s_uns / e
    loss = loss + s_p / (e * t)
    return loss

# --- scband reference (transcript-rebuilt; emitter-appended) ---
"""Pipeline reference for scband-one-dairway-loss-163208757612 (READ-ONLY COPY).

The authoritative reference and input builder live on the scoring server;
editing this copy changes nothing except your own understanding.
"""

import jax, jax.numpy as jnp
import numpy as np

N = 10000
E = 640000
T = 100

def setup_inputs(seed: int = 0) -> dict:
    key = jax.random.key(seed)
    k1, k2, k3, k4 = jax.random.split(key, 4)
    flowrate = jax.random.normal(k1, (N, T), dtype=jnp.float32)
    pressure = jax.random.normal(k2, (N, T), dtype=jnp.float32)
    edge_attr = jax.random.uniform(k3, (E, 2), dtype=jnp.float32)
    edge_index = jax.random.randint(k4, (2, E), 0, N)
    rho = jnp.ones((1,), dtype=jnp.float32)
    vis = jnp.ones((1,), dtype=jnp.float32)
    total_time = jnp.ones((1,), dtype=jnp.float32)
    return {"flowrate": flowrate, "pressure": pressure, "edge_attr": edge_attr,
            "edge_index": edge_index, "rho": rho, "vis": vis, "total_time": total_time}

def reference(flowrate, pressure, edge_attr, edge_index, rho, vis, total_time):
    pi = 3.1415926
    src = edge_index[0]
    dst = edge_index[1]
    # --- kinematic_loss ---
    # EdgeToNodeLayer: scatter edge diameters onto destination nodes (overwrite)
    diam_n = jnp.zeros((flowrate.shape[0],), dtype=flowrate.dtype).at[dst].set(edge_attr[:, 1])
    diam_n = diam_n.at[0].set(diam_n[1])
    K = 1.0
    Kin = 16.0 * K * rho / (pi ** 2 * jnp.square(jnp.square(diam_n)))
    loss = jnp.mean(Kin[:, None] * jnp.square(flowrate))
    # --- viscous_loss ---
    # NodeToEdgeLayer with message a - b: gather src/dst node values per edge
    Q_e = flowrate[src] - flowrate[dst]
    length = edge_attr[:, 0]
    diam = edge_attr[:, 1]
    Vis = 128.0 * vis * length / (pi * jnp.square(jnp.square(diam)))
    loss = loss + jnp.mean(Vis[:, None] * Q_e)
    # --- unsteady_loss ---
    timestep = total_time / (flowrate.shape[1] - 1)
    Uns = 4.0 * rho * length / (pi * jnp.square(diam))
    delta_Q = Q_e[:, 1:] - Q_e[:, 0:-1]
    loss = loss + jnp.mean((Uns / timestep)[:, None] * delta_Q)
    # --- pressure_loss ---
    P_e = pressure[src] - pressure[dst]
    loss = loss + jnp.mean(P_e)
    return loss

if __name__ == "__main__":
    import jax
    _d = setup_inputs()
    print(jax.jit(kernel)(*tuple(_d.values())))

</pallas_src>

<mosaic_0001>
#map = affine_map<(d0, d1) -> (0, 0)>
#map1 = affine_map<(d0, d1) -> (0)>
module attributes {stable_mosaic.version = 14 : i64} {
  func.func @_merge_body(%arg0: i32, %arg1: i32, %arg2: memref<32x10240xi32, #tpu.memory_space<hbm>>, %arg3: memref<10240xf32, #tpu.memory_space<hbm>>, %arg4: memref<640000xf32, #tpu.memory_space<hbm>>, %arg5: memref<32x16xf32, #tpu.memory_space<hbm>>, %arg6: memref<32x320xi32, #tpu.memory_space<vmem>>, %arg7: memref<320xi32, #tpu.memory_space<vmem>>, %arg8: memref<320xi32, #tpu.memory_space<vmem>>, %arg9: memref<320xf32, #tpu.memory_space<vmem>>, %arg10: memref<320xf32, #tpu.memory_space<vmem>>, %arg11: memref<16xf32, #tpu.memory_space<vmem>>, %arg12: memref<!tpu.dma_semaphore, #tpu.memory_space<semaphore_mem>>) attributes {dimension_semantics = [#tpu.dimension_semantics<core_parallel>, #tpu.dimension_semantics<subcore_parallel>], iteration_bounds = array<i64: 2, 16>, scalar_prefetch = 0 : i64, scratch_operands = 7 : i64, tpu.core_type = #tpu.core_type<sc_vector_subcore>, window_params = [{transform_indices = #map}, {transform_indices = #map1}, {transform_indices = #map1}, {transform_indices = #map}]} {
    %mul3A = arith.constant 2 : i32
    %mul3A_0 = arith.muli %arg1, %mul3A : i32
    %add3A = arith.addi %mul3A_0, %arg0 : i32
    %mul3A_1 = arith.constant 320 : i32
    %mul3A_2 = arith.muli %add3A, %mul3A_1 : i32
    %iota3A = tpu.iota {dimensions = array<i32: 0>} : vector<16xi32>
    "tpu.region"() ({
      %run_scoped3A = tpu.sem_alloc : memref<!tpu.dma_semaphore, #tpu.memory_space<semaphore_mem>>
      %dma_start3A_36 = arith.constant 0 : i32
      %dma_start3A_37 = tpu.memref_slice %arg2[%dma_start3A_36, %mul3A_2] : memref<32x10240xi32, #tpu.memory_space<hbm>> -> memref<32x320xi32, #tpu.memory_space<hbm>>
      %dma_start3A_38 = arith.constant 0 : i32
      %dma_start3A_39 = tpu.memref_slice %arg2[%dma_start3A_38, %mul3A_2] : memref<32x10240xi32, #tpu.memory_space<hbm>> -> memref<32x320xi32, #tpu.memory_space<hbm>>
      tpu.enqueue_dma source(%dma_start3A_39 : memref<32x320xi32, #tpu.memory_space<hbm>>) target(%arg6 : memref<32x320xi32, #tpu.memory_space<vmem>>) target_semaphore(%run_scoped3A : memref<!tpu.dma_semaphore, #tpu.memory_space<semaphore_mem>>)
      %dma_wait3A_40 = arith.constant 0 : i32
      %dma_wait3A_41 = tpu.memref_slice %arg2[%dma_wait3A_40, %mul3A_2] : memref<32x10240xi32, #tpu.memory_space<hbm>> -> memref<32x320xi32, #tpu.memory_space<hbm>>
      %dma_wait3A_42 = arith.constant 0 : i32
      %dma_wait3A_43 = tpu.memref_slice %arg2[%dma_wait3A_42, %mul3A_2] : memref<32x10240xi32, #tpu.memory_space<hbm>> -> memref<32x320xi32, #tpu.memory_space<hbm>>
      tpu.wait_dma2 semaphore(%run_scoped3A : memref<!tpu.dma_semaphore, #tpu.memory_space<semaphore_mem>>) src(%dma_wait3A_43 : memref<32x320xi32, #tpu.memory_space<hbm>>) dst(%arg6 : memref<32x320xi32, #tpu.memory_space<vmem>>)
      tpu.yield
    }) : () -> ()
    "tpu.region"() ({
      %run_scoped3A = tpu.sem_alloc : memref<!tpu.dma_semaphore, #tpu.memory_space<semaphore_mem>>
      %dma_start3A_36 = tpu.memref_slice %arg3[%mul3A_2] : memref<10240xf32, #tpu.memory_space<hbm>> -> memref<320xf32, #tpu.memory_space<hbm>>
      %dma_start3A_37 = tpu.memref_slice %arg3[%mul3A_2] : memref<10240xf32, #tpu.memory_space<hbm>> -> memref<320xf32, #tpu.memory_space<hbm>>
      tpu.enqueue_dma source(%dma_start3A_37 : memref<320xf32, #tpu.memory_space<hbm>>) target(%arg10 : memref<320xf32, #tpu.memory_space<vmem>>) target_semaphore(%run_scoped3A : memref<!tpu.dma_semaphore, #tpu.memory_space<semaphore_mem>>)
      %dma_wait3A_38 = tpu.memref_slice %arg3[%mul3A_2] : memref<10240xf32, #tpu.memory_space<hbm>> -> memref<320xf32, #tpu.memory_space<hbm>>
      %dma_wait3A_39 = tpu.memref_slice %arg3[%mul3A_2] : memref<10240xf32, #tpu.memory_space<hbm>> -> memref<320xf32, #tpu.memory_space<hbm>>
      tpu.wait_dma2 semaphore(%run_scoped3A : memref<!tpu.dma_semaphore, #tpu.memory_space<semaphore_mem>>) src(%dma_wait3A_39 : memref<320xf32, #tpu.memory_space<hbm>>) dst(%arg10 : memref<320xf32, #tpu.memory_space<vmem>>)
      tpu.yield
    }) : () -> ()
    %scan3A = arith.constant 0 : i32
    %scan3A_3 = arith.constant 0 : i32
    %scan3A_4 = arith.constant 20 : i32
    %scan3A_5 = arith.addi %scan3A_3, %scan3A_4 : i32
    %scan3A_6 = arith.constant 1 : i32
    %scan3A_7 = scf.for %scan3A_36 = %scan3A_3 to %scan3A_5 step %scan3A_6 iter_args(%scan3A_37 = %scan3A) -> (i32)  : i32 {
      %mul3A_38 = arith.constant 16 : i32
      %mul3A_39 = arith.muli %scan3A_36, %mul3A_38 : i32
      %get3A_40 = arith.constant 0 : i32
      %get3A_41 = arith.index_cast %get3A_40 : i32 to index
      %get3A_42 = arith.index_cast %mul3A_39 : i32 to index
      %get3A_43 = tpu.vector_load %arg6[%get3A_41, %get3A_42] {strides = array<i32>} : memref<32x320xi32, #tpu.memory_space<vmem>>, vector<16xi32>,
      %get3A_44 = arith.constant 1 : i32
      %get3A_45 = arith.index_cast %get3A_44 : i32 to index
      %get3A_46 = arith.index_cast %mul3A_39 : i32 to index
      %get3A_47 = tpu.vector_load %arg6[%get3A_45, %get3A_46] {strides = array<i32>} : memref<32x320xi32, #tpu.memory_space<vmem>>, vector<16xi32>,
      %max3A = arith.maxsi %get3A_43, %get3A_47 : vector<16xi32>
      %get3A_48 = arith.constant 2 : i32
      %get3A_49 = arith.index_cast %get3A_48 : i32 to index
      %get3A_50 = arith.index_cast %mul3A_39 : i32 to index
      %get3A_51 = tpu.vector_load %arg6[%get3A_49, %get3A_50] {strides = array<i32>} : memref<32x320xi32, #tpu.memory_space<vmem>>, vector<16xi32>,
      %max3A_52 = arith.maxsi %max3A, %get3A_51 : vector<16xi32>
      %get3A_53 = arith.constant 3 : i32
      %get3A_54 = arith.index_cast %get3A_53 : i32 to index
      %get3A_55 = arith.index_cast %mul3A_39 : i32 to index
      %get3A_56 = tpu.vector_load %arg6[%get3A_54, %get3A_55] {strides = array<i32>} : memref<32x320xi32, #tpu.memory_space<vmem>>, vector<16xi32>,
      %max3A_57 = arith.maxsi %max3A_52, %get3A_56 : vector<16xi32>
      %get3A_58 = arith.constant 4 : i32
      %get3A_59 = arith.index_cast %get3A_58 : i32 to index
      %get3A_60 = arith.index_cast %mul3A_39 : i32 to index
      %get3A_61 = tpu.vector_load %arg6[%get3A_59, %get3A_60] {strides = array<i32>} : memref<32x320xi32, #tpu.memory_space<vmem>>, vector<16xi32>,
      %max3A_62 = arith.maxsi %max3A_57, %get3A_61 : vector<16xi32>
      %get3A_63 = arith.constant 5 : i32
      %get3A_64 = arith.index_cast %get3A_63 : i32 to index
      %get3A_65 = arith.index_cast %mul3A_39 : i32 to index
      %get3A_66 = tpu.vector_load %arg6[%get3A_64, %get3A_65] {strides = array<i32>} : memref<32x320xi32, #tpu.memory_space<vmem>>, vector<16xi32>,
      %max3A_67 = arith.maxsi %max3A_62, %get3A_66 : vector<16xi32>
      %get3A_68 = arith.constant 6 : i32
      %get3A_69 = arith.index_cast %get3A_68 : i32 to index
      %get3A_70 = arith.index_cast %mul3A_39 : i32 to index
      %get3A_71 = tpu.vector_load %arg6[%get3A_69, %get3A_70] {strides = array<i32>} : memref<32x320xi32, #tpu.memory_space<vmem>>, vector<16xi32>,
      %max3A_72 = arith.maxsi %max3A_67, %get3A_71 : vector<16xi32>
      %get3A_73 = arith.constant 7 : i32
      %get3A_74 = arith.index_cast %get3A_73 : i32 to index
      %get3A_75 = arith.index_cast %mul3A_39 : i32 to index
      %get3A_76 = tpu.vector_load %arg6[%get3A_74, %get3A_75] {strides = array<i32>} : memref<32x320xi32, #tpu.memory_space<vmem>>, vector<16xi32>,
      %max3A_77 = arith.maxsi %max3A_72, %get3A_76 : vector<16xi32>
      %get3A_78 = arith.constant 8 : i32
      %get3A_79 = arith.index_cast %get3A_78 : i32 to index
      %get3A_80 = arith.index_cast %mul3A_39 : i32 to index
      %get3A_81 = tpu.vector_load %arg6[%get3A_79, %get3A_80] {strides = array<i32>} : memref<32x320xi32, #tpu.memory_space<vmem>>, vector<16xi32>,
      %max3A_82 = arith.maxsi %max3A_77, %get3A_81 : vector<16xi32>
      %get3A_83 = arith.constant 9 : i32
      %get3A_84 = arith.index_cast %get3A_83 : i32 to index
      %get3A_85 = arith.index_cast %mul3A_39 : i32 to index
      %get3A_86 = tpu.vector_load %arg6[%get3A_84, %get3A_85] {strides = array<i32>} : memref<32x320xi32, #tpu.memory_space<vmem>>, vector<16xi32>,
      %max3A_87 = arith.maxsi %max3A_82, %get3A_86 : vector<16xi32>
      %get3A_88 = arith.constant 10 : i32
      %get3A_89 = arith.index_cast %get3A_88 : i32 to index
      %get3A_90 = arith.index_cast %mul3A_39 : i32 to index
      %get3A_91 = tpu.vector_load %arg6[%get3A_89, %get3A_90] {strides = array<i32>} : memref<32x320xi32, #tpu.memory_space<vmem>>, vector<16xi32>,
      %max3A_92 = arith.maxsi %max3A_87, %get3A_91 : vector<16xi32>
      %get3A_93 = arith.constant 11 : i32
      %get3A_94 = arith.index_cast %get3A_93 : i32 to index
      %get3A_95 = arith.index_cast %mul3A_39 : i32 to index
      %get3A_96 = tpu.vector_load %arg6[%get3A_94, %get3A_95] {strides = array<i32>} : memref<32x320xi32, #tpu.memory_space<vmem>>, vector<16xi32>,
      %max3A_97 = arith.maxsi %max3A_92, %get3A_96 : vector<16xi32>
      %get3A_98 = arith.constant 12 : i32
      %get3A_99 = arith.index_cast %get3A_98 : i32 to index
      %get3A_100 = arith.index_cast %mul3A_39 : i32 to index
      %get3A_101 = tpu.vector_load %arg6[%get3A_99, %get3A_100] {strides = array<i32>} : memref<32x320xi32, #tpu.memory_space<vmem>>, vector<16xi32>,
      %max3A_102 = arith.maxsi %max3A_97, %get3A_101 : vector<16xi32>
      %get3A_103 = arith.constant 13 : i32
      %get3A_104 = arith.index_cast %get3A_103 : i32 to index
      %get3A_105 = arith.index_cast %mul3A_39 : i32 to index
      %get3A_106 = tpu.vector_load %arg6[%get3A_104, %get3A_105] {strides = array<i32>} : memref<32x320xi32, #tpu.memory_space<vmem>>, vector<16xi32>,
      %max3A_107 = arith.maxsi %max3A_102, %get3A_106 : vector<16xi32>
      %get3A_108 = arith.constant 14 : i32
      %get3A_109 = arith.index_cast %get3A_108 : i32 to index
      %get3A_110 = arith.index_cast %mul3A_39 : i32 to index
      %get3A_111 = tpu.vector_load %arg6[%get3A_109, %get3A_110] {strides = array<i32>} : memref<32x320xi32, #tpu.memory_space<vmem>>, vector<16xi32>,
      %max3A_112 = arith.maxsi %max3A_107, %get3A_111 : vector<16xi32>
      %get3A_113 = arith.constant 15 : i32
      %get3A_114 = arith.index_cast %get3A_113 : i32 to index
      %get3A_115 = arith.index_cast %mul3A_39 : i32 to index
      %get3A_116 = tpu.vector_load %arg6[%get3A_114, %get3A_115] {strides = array<i32>} : memref<32x320xi32, #tpu.memory_space<vmem>>, vector<16xi32>,
      %max3A_117 = arith.maxsi %max3A_112, %get3A_116 : vector<16xi32>
      %get3A_118 = arith.constant 16 : i32
      %get3A_119 = arith.index_cast %get3A_118 : i32 to index
      %get3A_120 = arith.index_cast %mul3A_39 : i32 to index
      %get3A_121 = tpu.vector_load %arg6[%get3A_119, %get3A_120] {strides = array<i32>} : memref<32x320xi32, #tpu.memory_space<vmem>>, vector<16xi32>,
      %max3A_122 = arith.maxsi %max3A_117, %get3A_121 : vector<16xi32>
      %get3A_123 = arith.constant 17 : i32
      %get3A_124 = arith.index_cast %get3A_123 : i32 to index
      %get3A_125 = arith.index_cast %mul3A_39 : i32 to index
      %get3A_126 = tpu.vector_load %arg6[%get3A_124, %get3A_125] {strides = array<i32>} : memref<32x320xi32, #tpu.memory_space<vmem>>, vector<16xi32>,
      %max3A_127 = arith.maxsi %max3A_122, %get3A_126 : vector<16xi32>
      %get3A_128 = arith.constant 18 : i32
      %get3A_129 = arith.index_cast %get3A_128 : i32 to index
      %get3A_130 = arith.index_cast %mul3A_39 : i32 to index
      %get3A_131 = tpu.vector_load %arg6[%get3A_129, %get3A_130] {strides = array<i32>} : memref<32x320xi32, #tpu.memory_space<vmem>>, vector<16xi32>,
      %max3A_132 = arith.maxsi %max3A_127, %get3A_131 : vector<16xi32>
      %get3A_133 = arith.constant 19 : i32
      %get3A_134 = arith.index_cast %get3A_133 : i32 to index
      %get3A_135 = arith.index_cast %mul3A_39 : i32 to index
      %get3A_136 = tpu.vector_load %arg6[%get3A_134, %get3A_135] {strides = array<i32>} : memref<32x320xi32, #tpu.memory_space<vmem>>, vector<16xi32>,
      %max3A_137 = arith.maxsi %max3A_132, %get3A_136 : vector<16xi32>
      %get3A_138 = arith.constant 20 : i32
      %get3A_139 = arith.index_cast %get3A_138 : i32 to index
      %get3A_140 = arith.index_cast %mul3A_39 : i32 to index
      %get3A_141 = tpu.vector_load %arg6[%get3A_139, %get3A_140] {strides = array<i32>} : memref<32x320xi32, #tpu.memory_space<vmem>>, vector<16xi32>,
      %max3A_142 = arith.maxsi %max3A_137, %get3A_141 : vector<16xi32>
      %get3A_143 = arith.constant 21 : i32
      %get3A_144 = arith.index_cast %get3A_143 : i32 to index
      %get3A_145 = arith.index_cast %mul3A_39 : i32 to index
      %get3A_146 = tpu.vector_load %arg6[%get3A_144, %get3A_145] {strides = array<i32>} : memref<32x320xi32, #tpu.memory_space<vmem>>, vector<16xi32>,
      %max3A_147 = arith.maxsi %max3A_142, %get3A_146 : vector<16xi32>
      %get3A_148 = arith.constant 22 : i32
      %get3A_149 = arith.index_cast %get3A_148 : i32 to index
      %get3A_150 = arith.index_cast %mul3A_39 : i32 to index
      %get3A_151 = tpu.vector_load %arg6[%get3A_149, %get3A_150] {strides = array<i32>} : memref<32x320xi32, #tpu.memory_space<vmem>>, vector<16xi32>,
      %max3A_152 = arith.maxsi %max3A_147, %get3A_151 : vector<16xi32>
      %get3A_153 = arith.constant 23 : i32
      %get3A_154 = arith.index_cast %get3A_153 : i32 to index
      %get3A_155 = arith.index_cast %mul3A_39 : i32 to index
      %get3A_156 = tpu.vector_load %arg6[%get3A_154, %get3A_155] {strides = array<i32>} : memref<32x320xi32, #tpu.memory_space<vmem>>, vector<16xi32>,
      %max3A_157 = arith.maxsi %max3A_152, %get3A_156 : vector<16xi32>
      %get3A_158 = arith.constant 24 : i32
      %get3A_159 = arith.index_cast %get3A_158 : i32 to index
      %get3A_160 = arith.index_cast %mul3A_39 : i32 to index
      %get3A_161 = tpu.vector_load %arg6[%get3A_159, %get3A_160] {strides = array<i32>} : memref<32x320xi32, #tpu.memory_space<vmem>>, vector<16xi32>,
      %max3A_162 = arith.maxsi %max3A_157, %get3A_161 : vector<16xi32>
      %get3A_163 = arith.constant 25 : i32
      %get3A_164 = arith.index_cast %get3A_163 : i32 to index
      %get3A_165 = arith.index_cast %mul3A_39 : i32 to index
      %get3A_166 = tpu.vector_load %arg6[%get3A_164, %get3A_165] {strides = array<i32>} : memref<32x320xi32, #tpu.memory_space<vmem>>, vector<16xi32>,
      %max3A_167 = arith.maxsi %max3A_162, %get3A_166 : vector<16xi32>
      %get3A_168 = arith.constant 26 : i32
      %get3A_169 = arith.index_cast %get3A_168 : i32 to index
      %get3A_170 = arith.index_cast %mul3A_39 : i32 to index
      %get3A_171 = tpu.vector_load %arg6[%get3A_169, %get3A_170] {strides = array<i32>} : memref<32x320xi32, #tpu.memory_space<vmem>>, vector<16xi32>,
      %max3A_172 = arith.maxsi %max3A_167, %get3A_171 : vector<16xi32>
      %get3A_173 = arith.constant 27 : i32
      %get3A_174 = arith.index_cast %get3A_173 : i32 to index
      %get3A_175 = arith.index_cast %mul3A_39 : i32 to index
      %get3A_176 = tpu.vector_load %arg6[%get3A_174, %get3A_175] {strides = array<i32>} : memref<32x320xi32, #tpu.memory_space<vmem>>, vector<16xi32>,
      %max3A_177 = arith.maxsi %max3A_172, %get3A_176 : vector<16xi32>
      %get3A_178 = arith.constant 28 : i32
      %get3A_179 = arith.index_cast %get3A_178 : i32 to index
      %get3A_180 = arith.index_cast %mul3A_39 : i32 to index
      %get3A_181 = tpu.vector_load %arg6[%get3A_179, %get3A_180] {strides = array<i32>} : memref<32x320xi32, #tpu.memory_space<vmem>>, vector<16xi32>,
      %max3A_182 = arith.maxsi %max3A_177, %get3A_181 : vector<16xi32>
      %get3A_183 = arith.constant 29 : i32
      %get3A_184 = arith.index_cast %get3A_183 : i32 to index
      %get3A_185 = arith.index_cast %mul3A_39 : i32 to index
      %get3A_186 = tpu.vector_load %arg6[%get3A_184, %get3A_185] {strides = array<i32>} : memref<32x320xi32, #tpu.memory_space<vmem>>, vector<16xi32>,
      %max3A_187 = arith.maxsi %max3A_182, %get3A_186 : vector<16xi32>
      %get3A_188 = arith.constant 30 : i32
      %get3A_189 = arith.index_cast %get3A_188 : i32 to index
      %get3A_190 = arith.index_cast %mul3A_39 : i32 to index
      %get3A_191 = tpu.vector_load %arg6[%get3A_189, %get3A_190] {strides = array<i32>} : memref<32x320xi32, #tpu.memory_space<vmem>>, vector<16xi32>,
      %max3A_192 = arith.maxsi %max3A_187, %get3A_191 : vector<16xi32>
      %get3A_193 = arith.constant 31 : i32
      %get3A_194 = arith.index_cast %get3A_193 : i32 to index
      %get3A_195 = arith.index_cast %mul3A_39 : i32 to index
      %get3A_196 = tpu.vector_load %arg6[%get3A_194, %get3A_195] {strides = array<i32>} : memref<32x320xi32, #tpu.memory_space<vmem>>, vector<16xi32>,
      %max3A_197 = arith.maxsi %max3A_192, %get3A_196 : vector<16xi32>
      %swap3A_198 = arith.index_cast %mul3A_39 : i32 to index
      %swap3A_199 = tpu.vector_load %arg7[%swap3A_198] {strides = array<i32>} : memref<320xi32, #tpu.memory_space<vmem>>, vector<16xi32>,
      tpu.vector_store %arg7[%swap3A_198], %max3A_197 {strides = array<i32>} : memref<320xi32, #tpu.memory_space<vmem>>, vector<16xi32>,
      %max3A_200 = arith.constant 0 : i32
      %max3A_201 = vector.broadcast %max3A_200 : i32 to vector<16xi32>
      %max3A_202 = arith.maxsi %max3A_197, %max3A_201 : vector<16xi32>
      %swap3A_203 = arith.index_cast %mul3A_39 : i32 to index
      %swap3A_204 = tpu.vector_load %arg8[%swap3A_203] {strides = array<i32>} : memref<320xi32, #tpu.memory_space<vmem>>, vector<16xi32>,
      tpu.vector_store %arg8[%swap3A_203], %max3A_202 {strides = array<i32>} : memref<320xi32, #tpu.memory_space<vmem>>, vector<16xi32>,
      %scan3A_205 = arith.constant 0 : i32
      scf.yield %scan3A_205 : i32
    }
    %scan3A_8 = arith.constant 20 : i32
    %eq3A = arith.constant 0 : i32
    %eq3A_9 = vector.broadcast %eq3A : i32 to vector<16xi32>
    %eq3A_10 = arith.cmpi eq, %iota3A, %eq3A_9 : vector<16xi32>
    %eq3A_11 = arith.constant 0 : i32
    %eq3A_12 = arith.cmpi eq, %add3A, %eq3A_11 : i32
    %and3A = vector.broadcast %eq3A_12 : i1 to vector<16xi1>
    %and3A_13 = arith.andi %eq3A_10, %and3A : vector<16xi1>
    %get3A = arith.constant 0 : index
    %get3A_14 = tpu.vector_load %arg7[%get3A] {strides = array<i32>} : memref<320xi32, #tpu.memory_space<vmem>>, vector<16xi32>,
    %slice3A = vector.extract_strided_slice %get3A_14 {offsets = [1], sizes = [1], strides = [1]} : vector<16xi32> to vector<1xi32>
    %squeeze3A = vector.extract %slice3A[0] : i32 from vector<1xi32>
    %broadcast_in_dim3A = vector.broadcast %squeeze3A : i32 to vector<16xi32>
    %select_n3A = arith.select %and3A_13, %broadcast_in_dim3A, %get3A_14 : vector<16xi1>, vector<16xi32>
    %swap3A = arith.constant 0 : index
    %swap3A_15 = tpu.vector_load %arg7[%swap3A] {strides = array<i32>} : memref<320xi32, #tpu.memory_space<vmem>>, vector<16xi32>,
    tpu.vector_store %arg7[%swap3A], %select_n3A {strides = array<i32>} : memref<320xi32, #tpu.memory_space<vmem>>, vector<16xi32>,
    %get3A_16 = arith.constant 0 : index
    %get3A_17 = tpu.vector_load %arg8[%get3A_16] {strides = array<i32>} : memref<320xi32, #tpu.memory_space<vmem>>, vector<16xi32>,
    %slice3A_18 = vector.extract_strided_slice %get3A_17 {offsets = [1], sizes = [1], strides = [1]} : vector<16xi32> to vector<1xi32>
    %squeeze3A_19 = vector.extract %slice3A_18[0] : i32 from vector<1xi32>
    %broadcast_in_dim3A_20 = vector.broadcast %squeeze3A_19 : i32 to vector<16xi32>
    %select_n3A_21 = arith.select %and3A_13, %broadcast_in_dim3A_20, %get3A_17 : vector<16xi1>, vector<16xi32>
    %swap3A_22 = arith.constant 0 : index
    %swap3A_23 = tpu.vector_load %arg8[%swap3A_22] {strides = array<i32>} : memref<320xi32, #tpu.memory_space<vmem>>, vector<16xi32>,
    tpu.vector_store %arg8[%swap3A_22], %select_n3A_21 {strides = array<i32>} : memref<320xi32, #tpu.memory_space<vmem>>, vector<16xi32>,
    %dma_start3A = arith.constant 0 : i32
    %dma_start3A_24 = tpu.memref_slice %arg4[%dma_start3A] : memref<640000xf32, #tpu.memory_space<hbm>> -> memref<640000xf32, #tpu.memory_space<hbm>>
    tpu.enqueue_indirect_dma source(%dma_start3A_24 : memref<640000xf32, #tpu.memory_space<hbm>>) target(%arg9 : memref<320xf32, #tpu.memory_space<vmem>>) offsets(%arg8 : memref<320xi32, #tpu.memory_space<vmem>>) semaphore(%arg12 : memref<!tpu.dma_semaphore, #tpu.memory_space<semaphore_mem>>)
    %dma_wait3A = arith.constant 0 : i32
    %dma_wait3A_25 = tpu.memref_slice %arg4[%dma_wait3A] : memref<640000xf32, #tpu.memory_space<hbm>> -> memref<640000xf32, #tpu.memory_space<hbm>>
    tpu.wait_indirect_dma semaphore(%arg12 : memref<!tpu.dma_semaphore, #tpu.memory_space<semaphore_mem>>) src(%dma_wait3A_25 : memref<640000xf32, #tpu.memory_space<hbm>>) dst(%arg9 : memref<320xf32, #tpu.memory_space<vmem>>)
    %broadcast_in_dim3A_26 = arith.constant 0.000000e+00 : f32
    %broadcast_in_dim3A_27 = vector.broadcast %broadcast_in_dim3A_26 : f32 to vector<16xf32>
    %scan3A_28 = arith.constant 0 : i32
    %scan3A_29 = arith.constant 20 : i32
    %scan3A_30 = arith.addi %scan3A_28, %scan3A_29 : i32
    %scan3A_31 = arith.constant 1 : i32
    %scan3A_32 = scf.for %scan3A_36 = %scan3A_28 to %scan3A_30 step %scan3A_31 iter_args(%scan3A_37 = %broadcast_in_dim3A_27) -> (vector<16xf32>)  : i32 {
      %mul3A_38 = arith.constant 16 : i32
      %mul3A_39 = arith.muli %scan3A_36, %mul3A_38 : i32
      %get3A_40 = arith.index_cast %mul3A_39 : i32 to index
      %get3A_41 = tpu.vector_load %arg7[%get3A_40] {strides = array<i32>} : memref<320xi32, #tpu.memory_space<vmem>>, vector<16xi32>,
      %lt3A = arith.constant 0 : i32
      %lt3A_42 = vector.broadcast %lt3A : i32 to vector<16xi32>
      %lt3A_43 = arith.cmpi slt, %get3A_41, %lt3A_42 : vector<16xi32>
      %broadcast_in_dim3A_44 = arith.constant 1.000000e+00 : f32
      %broadcast_in_dim3A_45 = vector.broadcast %broadcast_in_dim3A_44 : f32 to vector<16xf32>
      %get3A_46 = arith.index_cast %mul3A_39 : i32 to index
      %get3A_47 = tpu.vector_load %arg9[%get3A_46] {strides = array<i32>} : memref<320xf32, #tpu.memory_space<vmem>>, vector<16xf32>,
      %select_n3A_48 = arith.select %lt3A_43, %broadcast_in_dim3A_45, %get3A_47 : vector<16xi1>, vector<16xf32>
      %get3A_49 = arith.index_cast %mul3A_39 : i32 to index
      %get3A_50 = tpu.vector_load %arg10[%get3A_49] {strides = array<i32>} : memref<320xf32, #tpu.memory_space<vmem>>, vector<16xf32>,
      %mul3A_51 = arith.mulf %select_n3A_48, %select_n3A_48 : vector<16xf32>
      %mul3A_52 = arith.mulf %mul3A_51, %mul3A_51 : vector<16xf32>
      %div3A = arith.divf %get3A_50, %mul3A_52 : vector<16xf32>
      %add3A_53 = arith.addf %scan3A_37, %div3A : vector<16xf32>
      scf.yield %add3A_53 : vector<16xf32>
    }
    %scan3A_33 = arith.constant 20 : i32
    %swap3A_34 = arith.constant 0 : index
    %swap3A_35 = tpu.vector_load %arg11[%swap3A_34] {strides = array<i32>} : memref<16xf32, #tpu.memory_space<vmem>>, vector<16xf32>,
    tpu.vector_store %arg11[%swap3A_34], %scan3A_32 {strides = array<i32>} : memref<16xf32, #tpu.memory_space<vmem>>, vector<16xf32>,
    "tpu.region"() ({
      %run_scoped3A = tpu.sem_alloc : memref<!tpu.dma_semaphore, #tpu.memory_space<semaphore_mem>>
      %dma_start3A_36 = arith.constant 0 : i32
      %dma_start3A_37 = tpu.memref_slice %arg5[%add3A, %dma_start3A_36] : memref<32x16xf32, #tpu.memory_space<hbm>> -> memref<1x16xf32, #tpu.memory_space<hbm>>
      %dma_start3A_38 = tpu.memref_squeeze %dma_start3A_37 : memref<1x16xf32, #tpu.memory_space<hbm>> -> memref<16xf32, #tpu.memory_space<hbm>>
      %dma_start3A_39 = arith.constant 0 : i32
      %dma_start3A_40 = tpu.memref_slice %arg5[%add3A, %dma_start3A_39] : memref<32x16xf32, #tpu.memory_space<hbm>> -> memref<1x16xf32, #tpu.memory_space<hbm>>
      %dma_start3A_41 = tpu.memref_squeeze %dma_start3A_40 : memref<1x16xf32, #tpu.memory_space<hbm>> -> memref<16xf32, #tpu.memory_space<hbm>>
      tpu.enqueue_dma source(%arg11 : memref<16xf32, #tpu.memory_space<vmem>>) target(%dma_start3A_41 : memref<16xf32, #tpu.memory_space<hbm>>) target_semaphore(%run_scoped3A : memref<!tpu.dma_semaphore, #tpu.memory_space<semaphore_mem>>)
      %dma_wait3A_42 = arith.constant 0 : i32
      %dma_wait3A_43 = tpu.memref_slice %arg5[%add3A, %dma_wait3A_42] : memref<32x16xf32, #tpu.memory_space<hbm>> -> memref<1x16xf32, #tpu.memory_space<hbm>>
      %dma_wait3A_44 = tpu.memref_squeeze %dma_wait3A_43 : memref<1x16xf32, #tpu.memory_space<hbm>> -> memref<16xf32, #tpu.memory_space<hbm>>
      %dma_wait3A_45 = arith.constant 0 : i32
      %dma_wait3A_46 = tpu.memref_slice %arg5[%add3A, %dma_wait3A_45] : memref<32x16xf32, #tpu.memory_space<hbm>> -> memref<1x16xf32, #tpu.memory_space<hbm>>
      %dma_wait3A_47 = tpu.memref_squeeze %dma_wait3A_46 : memref<1x16xf32, #tpu.memory_space<hbm>> -> memref<16xf32, #tpu.memory_space<hbm>>
      tpu.wait_dma2 semaphore(%run_scoped3A : memref<!tpu.dma_semaphore, #tpu.memory_space<semaphore_mem>>) src(%arg11 : memref<16xf32, #tpu.memory_space<vmem>>) dst(%dma_wait3A_47 : memref<16xf32, #tpu.memory_space<hbm>>)
      tpu.yield
    }) : () -> ()
    return
  }
}

#map = affine_map<(d0, d1) -> (0)>
#map1 = affine_map<(d0, d1) -> (0, 0, 0)>
#map2 = affine_map<(d0, d1) -> (0, 0)>
module attributes {stable_mosaic.version = 14 : i64} {
  func.func @_edge_body(%arg0: i32, %arg1: i32, %arg2: memref<10240xf32, #tpu.memory_space<hbm>>, %arg3: memref<10240xf32, #tpu.memory_space<hbm>>, %arg4: memref<10240xf32, #tpu.memory_space<hbm>>, %arg5: memref<640000xi32, #tpu.memory_space<hbm>>, %arg6: memref<640000xi32, #tpu.memory_space<hbm>>, %arg7: memref<640000xf32, #tpu.memory_space<hbm>>, %arg8: memref<640000xf32, #tpu.memory_space<hbm>>, %arg9: memref<32x4x16xf32, #tpu.memory_space<hbm>>, %arg10: memref<32x10240xi32, #tpu.memory_space<hbm>>, %arg11: memref<10240xf32, #tpu.memory_space<vmem>>, %arg12: memref<10240xf32, #tpu.memory_space<vmem>>, %arg13: memref<10240xf32, #tpu.memory_space<vmem>>, %arg14: memref<10240xi32, #tpu.memory_space<vmem>>, %arg15: memref<20000xi32, #tpu.memory_space<vmem>>, %arg16: memref<20000xi32, #tpu.memory_space<vmem>>, %arg17: memref<20000xf32, #tpu.memory_space<vmem>>, %arg18: memref<20000xf32, #tpu.memory_space<vmem>>, %arg19: memref<4x16xf32, #tpu.memory_space<vmem>>, %arg20: memref<!tpu.dma_semaphore, #tpu.memory_space<semaphore_mem>>) attributes {dimension_semantics = [#tpu.dimension_semantics<core_parallel>, #tpu.dimension_semantics<subcore_parallel>], iteration_bounds = array<i64: 2, 16>, scalar_prefetch = 0 : i64, scratch_operands = 10 : i64, tpu.core_type = #tpu.core_type<sc_vector_subcore>, window_params = [{transform_indices = #map}, {transform_indices = #map}, {transform_indices = #map}, {transform_indices = #map}, {transform_indices = #map}, {transform_indices = #map}, {transform_indices = #map}, {transform_indices = #map1}, {transform_indices = #map2}]} {
    %mul3A = arith.constant 2 : i32
    %mul3A_0 = arith.muli %arg1, %mul3A : i32
    %add3A = arith.addi %mul3A_0, %arg0 : i32
    %mul3A_1 = arith.constant 20000 : i32
    %mul3A_2 = arith.muli %add3A, %mul3A_1 : i32
    %iota3A = tpu.iota {dimensions = array<i32: 0>} : vector<16xi32>
    tpu.enqueue_dma source(%arg2 : memref<10240xf32, #tpu.memory_space<hbm>>) target(%arg11 : memref<10240xf32, #tpu.memory_space<vmem>>) target_semaphore(%arg20 : memref<!tpu.dma_semaphore, #tpu.memory_space<semaphore_mem>>)
    tpu.enqueue_dma source(%arg3 : memref<10240xf32, #tpu.memory_space<hbm>>) target(%arg12 : memref<10240xf32, #tpu.memory_space<vmem>>) target_semaphore(%arg20 : memref<!tpu.dma_semaphore, #tpu.memory_space<semaphore_mem>>)
    tpu.enqueue_dma source(%arg4 : memref<10240xf32, #tpu.memory_space<hbm>>) target(%arg13 : memref<10240xf32, #tpu.memory_space<vmem>>) target_semaphore(%arg20 : memref<!tpu.dma_semaphore, #tpu.memory_space<semaphore_mem>>)
    %dma_start3A = tpu.memref_slice %arg5[%mul3A_2] : memref<640000xi32, #tpu.memory_space<hbm>> -> memref<20000xi32, #tpu.memory_space<hbm>>
    %dma_start3A_3 = tpu.memref_slice %arg5[%mul3A_2] : memref<640000xi32, #tpu.memory_space<hbm>> -> memref<20000xi32, #tpu.memory_space<hbm>>
    tpu.enqueue_dma source(%dma_start3A_3 : memref<20000xi32, #tpu.memory_space<hbm>>) target(%arg15 : memref<20000xi32, #tpu.memory_space<vmem>>) target_semaphore(%arg20 : memref<!tpu.dma_semaphore, #tpu.memory_space<semaphore_mem>>)
    %dma_start3A_4 = tpu.memref_slice %arg6[%mul3A_2] : memref<640000xi32, #tpu.memory_space<hbm>> -> memref<20000xi32, #tpu.memory_space<hbm>>
    %dma_start3A_5 = tpu.memref_slice %arg6[%mul3A_2] : memref<640000xi32, #tpu.memory_space<hbm>> -> memref<20000xi32, #tpu.memory_space<hbm>>
    tpu.enqueue_dma source(%dma_start3A_5 : memref<20000xi32, #tpu.memory_space<hbm>>) target(%arg16 : memref<20000xi32, #tpu.memory_space<vmem>>) target_semaphore(%arg20 : memref<!tpu.dma_semaphore, #tpu.memory_space<semaphore_mem>>)
    %dma_start3A_6 = tpu.memref_slice %arg7[%mul3A_2] : memref<640000xf32, #tpu.memory_space<hbm>> -> memref<20000xf32, #tpu.memory_space<hbm>>
    %dma_start3A_7 = tpu.memref_slice %arg7[%mul3A_2] : memref<640000xf32, #tpu.memory_space<hbm>> -> memref<20000xf32, #tpu.memory_space<hbm>>
    tpu.enqueue_dma source(%dma_start3A_7 : memref<20000xf32, #tpu.memory_space<hbm>>) target(%arg17 : memref<20000xf32, #tpu.memory_space<vmem>>) target_semaphore(%arg20 : memref<!tpu.dma_semaphore, #tpu.memory_space<semaphore_mem>>)
    %dma_start3A_8 = tpu.memref_slice %arg8[%mul3A_2] : memref<640000xf32, #tpu.memory_space<hbm>> -> memref<20000xf32, #tpu.memory_space<hbm>>
    %dma_start3A_9 = tpu.memref_slice %arg8[%mul3A_2] : memref<640000xf32, #tpu.memory_space<hbm>> -> memref<20000xf32, #tpu.memory_space<hbm>>
    tpu.enqueue_dma source(%dma_start3A_9 : memref<20000xf32, #tpu.memory_space<hbm>>) target(%arg18 : memref<20000xf32, #tpu.memory_space<vmem>>) target_semaphore(%arg20 : memref<!tpu.dma_semaphore, #tpu.memory_space<semaphore_mem>>)
    %scan3A = arith.constant 0 : i32
    %scan3A_10 = arith.constant 0 : i32
    %scan3A_11 = arith.constant 640 : i32
    %scan3A_12 = arith.addi %scan3A_10, %scan3A_11 : i32
    %scan3A_13 = arith.constant 1 : i32
    %scan3A_14 = scf.for %scan3A_51 = %scan3A_10 to %scan3A_12 step %scan3A_13 iter_args(%scan3A_52 = %scan3A) -> (i32)  : i32 {
      %broadcast_in_dim3A_53 = arith.constant -1 : i32
      %broadcast_in_dim3A_54 = vector.broadcast %broadcast_in_dim3A_53 : i32 to vector<16xi32>
      %mul3A_55 = arith.constant 16 : i32
      %mul3A_56 = arith.muli %scan3A_51, %mul3A_55 : i32
      %swap3A_57 = arith.index_cast %mul3A_56 : i32 to index
      %swap3A_58 = tpu.vector_load %arg14[%swap3A_57] {strides = array<i32>} : memref<10240xi32, #tpu.memory_space<vmem>>, vector<16xi32>,
      tpu.vector_store %arg14[%swap3A_57], %broadcast_in_dim3A_54 {strides = array<i32>} : memref<10240xi32, #tpu.memory_space<vmem>>, vector<16xi32>,
      %scan3A_59 = arith.constant 0 : i32
      scf.yield %scan3A_59 : i32
    }
    %scan3A_15 = arith.constant 640 : i32
    tpu.wait_dma2 semaphore(%arg20 : memref<!tpu.dma_semaphore, #tpu.memory_space<semaphore_mem>>) src(%arg2 : memref<10240xf32, #tpu.memory_space<hbm>>) dst(%arg11 : memref<10240xf32, #tpu.memory_space<vmem>>)
    tpu.wait_dma2 semaphore(%arg20 : memref<!tpu.dma_semaphore, #tpu.memory_space<semaphore_mem>>) src(%arg3 : memref<10240xf32, #tpu.memory_space<hbm>>) dst(%arg12 : memref<10240xf32, #tpu.memory_space<vmem>>)
    tpu.wait_dma2 semaphore(%arg20 : memref<!tpu.dma_semaphore, #tpu.memory_space<semaphore_mem>>) src(%arg4 : memref<10240xf32, #tpu.memory_space<hbm>>) dst(%arg13 : memref<10240xf32, #tpu.memory_space<vmem>>)
    %dma_wait3A = tpu.memref_slice %arg5[%mul3A_2] : memref<640000xi32, #tpu.memory_space<hbm>> -> memref<20000xi32, #tpu.memory_space<hbm>>
    %dma_wait3A_16 = tpu.memref_slice %arg5[%mul3A_2] : memref<640000xi32, #tpu.memory_space<hbm>> -> memref<20000xi32, #tpu.memory_space<hbm>>
    tpu.wait_dma2 semaphore(%arg20 : memref<!tpu.dma_semaphore, #tpu.memory_space<semaphore_mem>>) src(%dma_wait3A_16 : memref<20000xi32, #tpu.memory_space<hbm>>) dst(%arg15 : memref<20000xi32, #tpu.memory_space<vmem>>)
    %dma_wait3A_17 = tpu.memref_slice %arg6[%mul3A_2] : memref<640000xi32, #tpu.memory_space<hbm>> -> memref<20000xi32, #tpu.memory_space<hbm>>
    %dma_wait3A_18 = tpu.memref_slice %arg6[%mul3A_2] : memref<640000xi32, #tpu.memory_space<hbm>> -> memref<20000xi32, #tpu.memory_space<hbm>>
    tpu.wait_dma2 semaphore(%arg20 : memref<!tpu.dma_semaphore, #tpu.memory_space<semaphore_mem>>) src(%dma_wait3A_18 : memref<20000xi32, #tpu.memory_space<hbm>>) dst(%arg16 : memref<20000xi32, #tpu.memory_space<vmem>>)
    %dma_wait3A_19 = tpu.memref_slice %arg7[%mul3A_2] : memref<640000xf32, #tpu.memory_space<hbm>> -> memref<20000xf32, #tpu.memory_space<hbm>>
    %dma_wait3A_20 = tpu.memref_slice %arg7[%mul3A_2] : memref<640000xf32, #tpu.memory_space<hbm>> -> memref<20000xf32, #tpu.memory_space<hbm>>
    tpu.wait_dma2 semaphore(%arg20 : memref<!tpu.dma_semaphore, #tpu.memory_space<semaphore_mem>>) src(%dma_wait3A_20 : memref<20000xf32, #tpu.memory_space<hbm>>) dst(%arg17 : memref<20000xf32, #tpu.memory_space<vmem>>)
    %dma_wait3A_21 = tpu.memref_slice %arg8[%mul3A_2] : memref<640000xf32, #tpu.memory_space<hbm>> -> memref<20000xf32, #tpu.memory_space<hbm>>
    %dma_wait3A_22 = tpu.memref_slice %arg8[%mul3A_2] : memref<640000xf32, #tpu.memory_space<hbm>> -> memref<20000xf32, #tpu.memory_space<hbm>>
    tpu.wait_dma2 semaphore(%arg20 : memref<!tpu.dma_semaphore, #tpu.memory_space<semaphore_mem>>) src(%dma_wait3A_22 : memref<20000xf32, #tpu.memory_space<hbm>>) dst(%arg18 : memref<20000xf32, #tpu.memory_space<vmem>>)
    %broadcast_in_dim3A = arith.constant 0.000000e+00 : f32
    %broadcast_in_dim3A_23 = vector.broadcast %broadcast_in_dim3A : f32 to vector<16xf32>
    %broadcast_in_dim3A_24 = arith.constant 0.000000e+00 : f32
    %broadcast_in_dim3A_25 = vector.broadcast %broadcast_in_dim3A_24 : f32 to vector<16xf32>
    %broadcast_in_dim3A_26 = arith.constant 0.000000e+00 : f32
    %broadcast_in_dim3A_27 = vector.broadcast %broadcast_in_dim3A_26 : f32 to vector<16xf32>
    %scan3A_28 = arith.constant 0 : i32
    %scan3A_29 = arith.constant 625 : i32
    %scan3A_30 = arith.addi %scan3A_28, %scan3A_29 : i32
    %scan3A_31 = arith.constant 1 : i32
    %scan3A_32:3 = scf.for %scan3A_51 = %scan3A_28 to %scan3A_30 step %scan3A_31 iter_args(%scan3A_52 = %broadcast_in_dim3A_23, %scan3A_53 = %broadcast_in_dim3A_25, %scan3A_54 = %broadcast_in_dim3A_27) -> (vector<16xf32>, vector<16xf32>, vector<16xf32>)  : i32 {
      %mul3A_55 = arith.constant 2 : i32
      %mul3A_56 = arith.muli %scan3A_51, %mul3A_55 : i32
      %add3A_57 = arith.constant 0 : i32
      %add3A_58 = arith.addi %mul3A_56, %add3A_57 : i32
      %mul3A_59 = arith.constant 16 : i32
      %mul3A_60 = arith.muli %add3A_58, %mul3A_59 : i32
      %get3A = arith.index_cast %mul3A_60 : i32 to index
      %get3A_61 = tpu.vector_load %arg15[%get3A] {strides = array<i32>} : memref<20000xi32, #tpu.memory_space<vmem>>, vector<16xi32>,
      %get3A_62 = arith.index_cast %mul3A_60 : i32 to index
      %get3A_63 = tpu.vector_load %arg16[%get3A_62] {strides = array<i32>} : memref<20000xi32, #tpu.memory_space<vmem>>, vector<16xi32>,
      %get3A_64 = arith.index_cast %mul3A_60 : i32 to index
      %get3A_65 = tpu.vector_load %arg17[%get3A_64] {strides = array<i32>} : memref<20000xf32, #tpu.memory_space<vmem>>, vector<16xf32>,
      %get3A_66 = arith.index_cast %mul3A_60 : i32 to index
      %get3A_67 = tpu.vector_load %arg18[%get3A_66] {strides = array<i32>} : memref<20000xf32, #tpu.memory_space<vmem>>, vector<16xf32>,
      %gather3A = tpu.vector_load_idx %arg11[%get3A_61] : memref<10240xf32, #tpu.memory_space<vmem>>[vector<16xi32>], vector<16xf32>,
      %gather3A_68 = tpu.vector_load_idx %arg11[%get3A_63] : memref<10240xf32, #tpu.memory_space<vmem>>[vector<16xi32>], vector<16xf32>,
      %gather3A_69 = tpu.vector_load_idx %arg12[%get3A_61] : memref<10240xf32, #tpu.memory_space<vmem>>[vector<16xi32>], vector<16xf32>,
      %gather3A_70 = tpu.vector_load_idx %arg12[%get3A_63] : memref<10240xf32, #tpu.memory_space<vmem>>[vector<16xi32>], vector<16xf32>,
      %gather3A_71 = tpu.vector_load_idx %arg13[%get3A_61] : memref<10240xf32, #tpu.memory_space<vmem>>[vector<16xi32>], vector<16xf32>,
      %gather3A_72 = tpu.vector_load_idx %arg13[%get3A_63] : memref<10240xf32, #tpu.memory_space<vmem>>[vector<16xi32>], vector<16xf32>,
      %mul3A_73 = arith.mulf %get3A_67, %get3A_67 : vector<16xf32>
      %mul3A_74 = arith.mulf %mul3A_73, %mul3A_73 : vector<16xf32>
      %div3A = arith.divf %get3A_65, %mul3A_74 : vector<16xf32>
      %sub3A = arith.subf %gather3A, %gather3A_68 : vector<16xf32>
      %mul3A_75 = arith.mulf %div3A, %sub3A : vector<16xf32>
      %add3A_76 = arith.addf %scan3A_52, %mul3A_75 : vector<16xf32>
      %div3A_77 = arith.divf %get3A_65, %mul3A_73 : vector<16xf32>
      %sub3A_78 = arith.subf %gather3A_69, %gather3A_70 : vector<16xf32>
      %mul3A_79 = arith.mulf %div3A_77, %sub3A_78 : vector<16xf32>
      %add3A_80 = arith.addf %scan3A_53, %mul3A_79 : vector<16xf32>
      %sub3A_81 = arith.subf %gather3A_71, %gather3A_72 : vector<16xf32>
      %add3A_82 = arith.addf %scan3A_54, %sub3A_81 : vector<16xf32>
      %add3A_83 = arith.constant 0 : i32
      %add3A_84 = arith.addi %mul3A_2, %add3A_83 : i32
      %mul3A_85 = arith.constant 16 : i32
      %mul3A_86 = arith.muli %add3A_58, %mul3A_85 : i32
      %add3A_87 = arith.addi %add3A_84, %mul3A_86 : i32
      %add3A_88 = vector.broadcast %add3A_87 : i32 to vector<16xi32>
      %add3A_89 = arith.addi %add3A_88, %iota3A : vector<16xi32>
      tpu.vector_store_idx %arg14[%get3A_63], %add3A_89 : memref<10240xi32, #tpu.memory_space<vmem>>[vector<16xi32>], vector<16xi32>,
      %mul3A_90 = arith.constant 2 : i32
      %mul3A_91 = arith.muli %scan3A_51, %mul3A_90 : i32
      %add3A_92 = arith.constant 1 : i32
      %add3A_93 = arith.addi %mul3A_91, %add3A_92 : i32
      %mul3A_94 = arith.constant 16 : i32
      %mul3A_95 = arith.muli %add3A_93, %mul3A_94 : i32
      %get3A_96 = arith.index_cast %mul3A_95 : i32 to index
      %get3A_97 = tpu.vector_load %arg15[%get3A_96] {strides = array<i32>} : memref<20000xi32, #tpu.memory_space<vmem>>, vector<16xi32>,
      %get3A_98 = arith.index_cast %mul3A_95 : i32 to index
      %get3A_99 = tpu.vector_load %arg16[%get3A_98] {strides = array<i32>} : memref<20000xi32, #tpu.memory_space<vmem>>, vector<16xi32>,
      %get3A_100 = arith.index_cast %mul3A_95 : i32 to index
      %get3A_101 = tpu.vector_load %arg17[%get3A_100] {strides = array<i32>} : memref<20000xf32, #tpu.memory_space<vmem>>, vector<16xf32>,
      %get3A_102 = arith.index_cast %mul3A_95 : i32 to index
      %get3A_103 = tpu.vector_load %arg18[%get3A_102] {strides = array<i32>} : memref<20000xf32, #tpu.memory_space<vmem>>, vector<16xf32>,
      %gather3A_104 = tpu.vector_load_idx %arg11[%get3A_97] : memref<10240xf32, #tpu.memory_space<vmem>>[vector<16xi32>], vector<16xf32>,
      %gather3A_105 = tpu.vector_load_idx %arg11[%get3A_99] : memref<10240xf32, #tpu.memory_space<vmem>>[vector<16xi32>], vector<16xf32>,
      %gather3A_106 = tpu.vector_load_idx %arg12[%get3A_97] : memref<10240xf32, #tpu.memory_space<vmem>>[vector<16xi32>], vector<16xf32>,
      %gather3A_107 = tpu.vector_load_idx %arg12[%get3A_99] : memref<10240xf32, #tpu.memory_space<vmem>>[vector<16xi32>], vector<16xf32>,
      %gather3A_108 = tpu.vector_load_idx %arg13[%get3A_97] : memref<10240xf32, #tpu.memory_space<vmem>>[vector<16xi32>], vector<16xf32>,
      %gather3A_109 = tpu.vector_load_idx %arg13[%get3A_99] : memref<10240xf32, #tpu.memory_space<vmem>>[vector<16xi32>], vector<16xf32>,
      %mul3A_110 = arith.mulf %get3A_103, %get3A_103 : vector<16xf32>
      %mul3A_111 = arith.mulf %mul3A_110, %mul3A_110 : vector<16xf32>
      %div3A_112 = arith.divf %get3A_101, %mul3A_111 : vector<16xf32>
      %sub3A_113 = arith.subf %gather3A_104, %gather3A_105 : vector<16xf32>
      %mul3A_114 = arith.mulf %div3A_112, %sub3A_113 : vector<16xf32>
      %add3A_115 = arith.addf %add3A_76, %mul3A_114 : vector<16xf32>
      %div3A_116 = arith.divf %get3A_101, %mul3A_110 : vector<16xf32>
      %sub3A_117 = arith.subf %gather3A_106, %gather3A_107 : vector<16xf32>
      %mul3A_118 = arith.mulf %div3A_116, %sub3A_117 : vector<16xf32>
      %add3A_119 = arith.addf %add3A_80, %mul3A_118 : vector<16xf32>
      %sub3A_120 = arith.subf %gather3A_108, %gather3A_109 : vector<16xf32>
      %add3A_121 = arith.addf %add3A_82, %sub3A_120 : vector<16xf32>
      %add3A_122 = arith.constant 0 : i32
      %add3A_123 = arith.addi %mul3A_2, %add3A_122 : i32
      %mul3A_124 = arith.constant 16 : i32
      %mul3A_125 = arith.muli %add3A_93, %mul3A_124 : i32
      %add3A_126 = arith.addi %add3A_123, %mul3A_125 : i32
      %add3A_127 = vector.broadcast %add3A_126 : i32 to vector<16xi32>
      %add3A_128 = arith.addi %add3A_127, %iota3A : vector<16xi32>
      tpu.vector_store_idx %arg14[%get3A_99], %add3A_128 : memref<10240xi32, #tpu.memory_space<vmem>>[vector<16xi32>], vector<16xi32>,
      scf.yield %add3A_115, %add3A_119, %add3A_121 : vector<16xf32>, vector<16xf32>, vector<16xf32>
    }
    %scan3A_33 = arith.constant 625 : i32
    %swap3A = arith.constant 0 : i32
    %swap3A_34 = arith.index_cast %swap3A : i32 to index
    %swap3A_35 = arith.constant 0 : index
    %swap3A_36 = tpu.vector_load %arg19[%swap3A_34, %swap3A_35] {strides = array<i32>} : memref<4x16xf32, #tpu.memory_space<vmem>>, vector<16xf32>,
    tpu.vector_store %arg19[%swap3A_34, %swap3A_35], %scan3A_32#0 {strides = array<i32>} : memref<4x16xf32, #tpu.memory_space<vmem>>, vector<16xf32>,
    %swap3A_37 = arith.constant 1 : i32
    %swap3A_38 = arith.index_cast %swap3A_37 : i32 to index
    %swap3A_39 = arith.constant 0 : index
    %swap3A_40 = tpu.vector_load %arg19[%swap3A_38, %swap3A_39] {strides = array<i32>} : memref<4x16xf32, #tpu.memory_space<vmem>>, vector<16xf32>,
    tpu.vector_store %arg19[%swap3A_38, %swap3A_39], %scan3A_32#1 {strides = array<i32>} : memref<4x16xf32, #tpu.memory_space<vmem>>, vector<16xf32>,
    %swap3A_41 = arith.constant 2 : i32
    %swap3A_42 = arith.index_cast %swap3A_41 : i32 to index
    %swap3A_43 = arith.constant 0 : index
    %swap3A_44 = tpu.vector_load %arg19[%swap3A_42, %swap3A_43] {strides = array<i32>} : memref<4x16xf32, #tpu.memory_space<vmem>>, vector<16xf32>,
    tpu.vector_store %arg19[%swap3A_42, %swap3A_43], %scan3A_32#2 {strides = array<i32>} : memref<4x16xf32, #tpu.memory_space<vmem>>, vector<16xf32>,
    %broadcast_in_dim3A_45 = arith.constant 0.000000e+00 : f32
    %broadcast_in_dim3A_46 = vector.broadcast %broadcast_in_dim3A_45 : f32 to vector<16xf32>
    %swap3A_47 = arith.constant 3 : i32
    %swap3A_48 = arith.index_cast %swap3A_47 : i32 to index
    %swap3A_49 = arith.constant 0 : index
    %swap3A_50 = tpu.vector_load %arg19[%swap3A_48, %swap3A_49] {strides = array<i32>} : memref<4x16xf32, #tpu.memory_space<vmem>>, vector<16xf32>,
    tpu.vector_store %arg19[%swap3A_48, %swap3A_49], %broadcast_in_dim3A_46 {strides = array<i32>} : memref<4x16xf32, #tpu.memory_space<vmem>>, vector<16xf32>,
    "tpu.region"() ({
      %run_scoped3A = tpu.sem_alloc : memref<!tpu.dma_semaphore, #tpu.memory_space<semaphore_mem>>
      %dma_start3A_51 = arith.constant 0 : i32
      %dma_start3A_52 = arith.constant 0 : i32
      %dma_start3A_53 = tpu.memref_slice %arg9[%add3A, %dma_start3A_51, %dma_start3A_52] : memref<32x4x16xf32, #tpu.memory_space<hbm>> -> memref<1x4x16xf32, #tpu.memory_space<hbm>>
      %dma_start3A_54 = tpu.memref_squeeze %dma_start3A_53 : memref<1x4x16xf32, #tpu.memory_space<hbm>> -> memref<4x16xf32, #tpu.memory_space<hbm>>
      %dma_start3A_55 = arith.constant 0 : i32
      %dma_start3A_56 = arith.constant 0 : i32
      %dma_start3A_57 = tpu.memref_slice %arg9[%add3A, %dma_start3A_55, %dma_start3A_56] : memref<32x4x16xf32, #tpu.memory_space<hbm>> -> memref<1x4x16xf32, #tpu.memory_space<hbm>>
      %dma_start3A_58 = tpu.memref_squeeze %dma_start3A_57 : memref<1x4x16xf32, #tpu.memory_space<hbm>> -> memref<4x16xf32, #tpu.memory_space<hbm>>
      tpu.enqueue_dma source(%arg19 : memref<4x16xf32, #tpu.memory_space<vmem>>) target(%dma_start3A_58 : memref<4x16xf32, #tpu.memory_space<hbm>>) target_semaphore(%run_scoped3A : memref<!tpu.dma_semaphore, #tpu.memory_space<semaphore_mem>>)
      %dma_wait3A_59 = arith.constant 0 : i32
      %dma_wait3A_60 = arith.constant 0 : i32
      %dma_wait3A_61 = tpu.memref_slice %arg9[%add3A, %dma_wait3A_59, %dma_wait3A_60] : memref<32x4x16xf32, #tpu.memory_space<hbm>> -> memref<1x4x16xf32, #tpu.memory_space<hbm>>
      %dma_wait3A_62 = tpu.memref_squeeze %dma_wait3A_61 : memref<1x4x16xf32, #tpu.memory_space<hbm>> -> memref<4x16xf32, #tpu.memory_space<hbm>>
      %dma_wait3A_63 = arith.constant 0 : i32
      %dma_wait3A_64 = arith.constant 0 : i32
      %dma_wait3A_65 = tpu.memref_slice %arg9[%add3A, %dma_wait3A_63, %dma_wait3A_64] : memref<32x4x16xf32, #tpu.memory_space<hbm>> -> memref<1x4x16xf32, #tpu.memory_space<hbm>>
      %dma_wait3A_66 = tpu.memref_squeeze %dma_wait3A_65 : memref<1x4x16xf32, #tpu.memory_space<hbm>> -> memref<4x16xf32, #tpu.memory_space<hbm>>
      tpu.wait_dma2 semaphore(%run_scoped3A : memref<!tpu.dma_semaphore, #tpu.memory_space<semaphore_mem>>) src(%arg19 : memref<4x16xf32, #tpu.memory_space<vmem>>) dst(%dma_wait3A_66 : memref<4x16xf32, #tpu.memory_space<hbm>>)
      tpu.yield
    }) : () -> ()
    "tpu.region"() ({
      %run_scoped3A = tpu.sem_alloc : memref<!tpu.dma_semaphore, #tpu.memory_space<semaphore_mem>>
      %dma_start3A_51 = arith.constant 0 : i32
      %dma_start3A_52 = tpu.memref_slice %arg10[%add3A, %dma_start3A_51] : memref<32x10240xi32, #tpu.memory_space<hbm>> -> memref<1x10240xi32, #tpu.memory_space<hbm>>
      %dma_start3A_53 = tpu.memref_squeeze %dma_start3A_52 : memref<1x10240xi32, #tpu.memory_space<hbm>> -> memref<10240xi32, #tpu.memory_space<hbm>>
      %dma_start3A_54 = arith.constant 0 : i32
      %dma_start3A_55 = tpu.memref_slice %arg10[%add3A, %dma_start3A_54] : memref<32x10240xi32, #tpu.memory_space<hbm>> -> memref<1x10240xi32, #tpu.memory_space<hbm>>
      %dma_start3A_56 = tpu.memref_squeeze %dma_start3A_55 : memref<1x10240xi32, #tpu.memory_space<hbm>> -> memref<10240xi32, #tpu.memory_space<hbm>>
      tpu.enqueue_dma source(%arg14 : memref<10240xi32, #tpu.memory_space<vmem>>) target(%dma_start3A_56 : memref<10240xi32, #tpu.memory_space<hbm>>) target_semaphore(%run_scoped3A : memref<!tpu.dma_semaphore, #tpu.memory_space<semaphore_mem>>)
      %dma_wait3A_57 = arith.constant 0 : i32
      %dma_wait3A_58 = tpu.memref_slice %arg10[%add3A, %dma_wait3A_57] : memref<32x10240xi32, #tpu.memory_space<hbm>> -> memref<1x10240xi32, #tpu.memory_space<hbm>>
      %dma_wait3A_59 = tpu.memref_squeeze %dma_wait3A_58 : memref<1x10240xi32, #tpu.memory_space<hbm>> -> memref<10240xi32, #tpu.memory_space<hbm>>
      %dma_wait3A_60 = arith.constant 0 : i32
      %dma_wait3A_61 = tpu.memref_slice %arg10[%add3A, %dma_wait3A_60] : memref<32x10240xi32, #tpu.memory_space<hbm>> -> memref<1x10240xi32, #tpu.memory_space<hbm>>
      %dma_wait3A_62 = tpu.memref_squeeze %dma_wait3A_61 : memref<1x10240xi32, #tpu.memory_space<hbm>> -> memref<10240xi32, #tpu.memory_space<hbm>>
      tpu.wait_dma2 semaphore(%run_scoped3A : memref<!tpu.dma_semaphore, #tpu.memory_space<semaphore_mem>>) src(%arg14 : memref<10240xi32, #tpu.memory_space<vmem>>) dst(%dma_wait3A_62 : memref<10240xi32, #tpu.memory_space<hbm>>)
      tpu.yield
    }) : () -> ()
    return
  }
}

module attributes {stable_mosaic.version = 14 : i64} {
  func.func @_nodestats_body(%arg0: i32, %arg1: memref<2048x100xf32, #tpu.memory_space<vmem>>, %arg2: memref<2048x100xf32, #tpu.memory_space<vmem>>, %arg3: memref<2048xf32, #tpu.memory_space<vmem>>, %arg4: memref<2048xf32, #tpu.memory_space<vmem>>, %arg5: memref<2048xf32, #tpu.memory_space<vmem>>, %arg6: memref<2048xf32, #tpu.memory_space<vmem>>) attributes {dimension_semantics = [#tpu.dimension_semantics<arbitrary>], iteration_bounds = array<i64: 5>, scalar_prefetch = 0 : i64, scratch_operands = 0 : i64, tpu.core_type = #tpu.core_type<tc>, window_params = [{transform_indices = @transform_0, window_bounds = array<i64: 2048, 100>}, {transform_indices = @transform_1, window_bounds = array<i64: 2048, 100>}, {transform_indices = @transform_2, window_bounds = array<i64: 2048>}, {transform_indices = @transform_3, window_bounds = array<i64: 2048>}, {transform_indices = @transform_4, window_bounds = array<i64: 2048>}, {transform_indices = @transform_5, window_bounds = array<i64: 2048>}]} {
    %get3A = arith.constant 0 : index
    %get3A_0 = arith.constant 0 : index
    %get3A_1 = vector.load %arg1[%get3A, %get3A_0] : memref<2048x100xf32, #tpu.memory_space<vmem>>, vector<2048x100xf32>
    %get3A_2 = arith.constant 0 : index
    %get3A_3 = arith.constant 0 : index
    %get3A_4 = vector.load %arg2[%get3A_2, %get3A_3] : memref<2048x100xf32, #tpu.memory_space<vmem>>, vector<2048x100xf32>
    %mul3A = arith.constant 2048 : i32
    %mul3A_5 = arith.muli %arg0, %mul3A : i32
    %iota3A = tpu.iota {dimensions = array<i32: 1>} : vector<1x2048xi32>
    %iota3A_6 = vector.shape_cast %iota3A : vector<1x2048xi32> to vector<2048xi32>
    %add3A = vector.broadcast %mul3A_5 : i32 to vector<2048xi32>
    %add3A_7 = arith.addi %add3A, %iota3A_6 : vector<2048xi32>
    %lt3A = arith.constant 10000 : i32
    %lt3A_8 = vector.broadcast %lt3A : i32 to vector<2048xi32>
    %lt3A_9 = arith.cmpi slt, %add3A_7, %lt3A_8 : vector<2048xi32>
    %broadcast_in_dim3A = arith.constant 0.000000e+00 : f32
    %broadcast_in_dim3A_10 = vector.broadcast %broadcast_in_dim3A : f32 to vector<2048xf32>
    %reduce_sum3A = arith.constant dense<0.000000e+00> : vector<2048xf32>
    %reduce_sum3A_11 = vector.multi_reduction <add>, %get3A_1, %reduce_sum3A [1] : vector<2048x100xf32> to vector<2048xf32>
    %select_n3A = arith.select %lt3A_9, %reduce_sum3A_11, %broadcast_in_dim3A_10 : vector<2048xi1>, vector<2048xf32>
    %swap3A = arith.constant 0 : index
    %swap3A_12 = vector.load %arg3[%swap3A] : memref<2048xf32, #tpu.memory_space<vmem>>, vector<2048xf32>
    tpu.vector_store %arg3[%swap3A], %select_n3A {strides = array<i32>} : memref<2048xf32, #tpu.memory_space<vmem>>, vector<2048xf32>,
    %slice3A = vector.extract_strided_slice %get3A_1 {offsets = [0, 99], sizes = [2048, 1], strides = [1, 1]} : vector<2048x100xf32> to vector<2048x1xf32>
    %squeeze3A = vector.shape_cast %slice3A : vector<2048x1xf32> to vector<2048xf32>
    %slice3A_13 = vector.extract_strided_slice %get3A_1 {offsets = [0, 0], sizes = [2048, 1], strides = [1, 1]} : vector<2048x100xf32> to vector<2048x1xf32>
    %squeeze3A_14 = vector.shape_cast %slice3A_13 : vector<2048x1xf32> to vector<2048xf32>
    %sub3A = arith.subf %squeeze3A, %squeeze3A_14 : vector<2048xf32>
    %select_n3A_15 = arith.select %lt3A_9, %sub3A, %broadcast_in_dim3A_10 : vector<2048xi1>, vector<2048xf32>
    %swap3A_16 = arith.constant 0 : index
    %swap3A_17 = vector.load %arg4[%swap3A_16] : memref<2048xf32, #tpu.memory_space<vmem>>, vector<2048xf32>
    tpu.vector_store %arg4[%swap3A_16], %select_n3A_15 {strides = array<i32>} : memref<2048xf32, #tpu.memory_space<vmem>>, vector<2048xf32>,
    %reduce_sum3A_18 = arith.constant dense<0.000000e+00> : vector<2048xf32>
    %reduce_sum3A_19 = vector.multi_reduction <add>, %get3A_4, %reduce_sum3A_18 [1] : vector<2048x100xf32> to vector<2048xf32>
    %select_n3A_20 = arith.select %lt3A_9, %reduce_sum3A_19, %broadcast_in_dim3A_10 : vector<2048xi1>, vector<2048xf32>
    %swap3A_21 = arith.constant 0 : index
    %swap3A_22 = vector.load %arg5[%swap3A_21] : memref<2048xf32, #tpu.memory_space<vmem>>, vector<2048xf32>
    tpu.vector_store %arg5[%swap3A_21], %select_n3A_20 {strides = array<i32>} : memref<2048xf32, #tpu.memory_space<vmem>>, vector<2048xf32>,
    %mul3A_23 = arith.mulf %get3A_1, %get3A_1 : vector<2048x100xf32>
    %reduce_sum3A_24 = arith.constant dense<0.000000e+00> : vector<2048xf32>
    %reduce_sum3A_25 = vector.multi_reduction <add>, %mul3A_23, %reduce_sum3A_24 [1] : vector<2048x100xf32> to vector<2048xf32>
    %select_n3A_26 = arith.select %lt3A_9, %reduce_sum3A_25, %broadcast_in_dim3A_10 : vector<2048xi1>, vector<2048xf32>
    %swap3A_27 = arith.constant 0 : index
    %swap3A_28 = vector.load %arg6[%swap3A_27] : memref<2048xf32, #tpu.memory_space<vmem>>, vector<2048xf32>
    tpu.vector_store %arg6[%swap3A_27], %select_n3A_26 {strides = array<i32>} : memref<2048xf32, #tpu.memory_space<vmem>>, vector<2048xf32>,
    return
  }
  func.func @transform_0(%arg0: i32) -> (i32, i32) {
    %c0_i32 = arith.constant 0 : i32
    %c0_i32_0 = arith.constant 0 : i32
    return %arg0, %c0_i32 : i32, i32
  }
  func.func @transform_1(%arg0: i32) -> (i32, i32) {
    %c0_i32 = arith.constant 0 : i32
    %c0_i32_0 = arith.constant 0 : i32
    return %arg0, %c0_i32 : i32, i32
  }
  func.func @transform_2(%arg0: i32) -> i32 {
    %c0_i32 = arith.constant 0 : i32
    return %arg0 : i32
  }
  func.func @transform_3(%arg0: i32) -> i32 {
    %c0_i32 = arith.constant 0 : i32
    return %arg0 : i32
  }
  func.func @transform_4(%arg0: i32) -> i32 {
    %c0_i32 = arith.constant 0 : i32
    return %arg0 : i32
  }
  func.func @transform_5(%arg0: i32) -> i32 {
    %c0_i32 = arith.constant 0 : i32
    return %arg0 : i32
  }
}

</mosaic_0001>

<sc_bundles>
// kernel: kernel.5.cloned.1.call-start
scs
__scs_entry_jumppad:
0x0: {  	(pc) =	sbr.rel $0x88, $3  }
0x1: {  	(tag) =	ssettag $0x0;
	lr =	simm.s32 $0x1  }
0x2: {  	[smem:$0x3F9A] =	sst lr;
	_ =	strace $0xD0000000  }
0x3: {  	_ = 	snop  }
0x4: {  	_ = 	snop  }
0x5: {  	_ = 	snop  }
0x6: {  	_ = 	snop  }
0x7: {  	_ = 	snop  }
__scs_overlays_trampoline_lowered:
0x8: {  	[smem:$0x3FA9] =	sst s0  }
0x9: {  	[smem:$0x3FAA] =	sst s1  }
0xa: {  	[smem:$0x3FAB] =	sst s2  }
0xb: {  	[smem:$0x3FAC] =	sst s3  }
0xc: {  	[smem:$0x3FAD] =	sst s4  }
0xd: {  	[smem:$0x3FAE] =	sst s5  }
0xe: {  	[smem:$0x3FAF] =	sst s6  }
0xf: {  	[smem:$0x3FB0] =	sst s7  }
0x10: {  	[smem:$0x3FB1] =	sst s8  }
0x11: {  	[smem:$0x3FB2] =	sst s9;
	s0 =	simm.s32 @!p0 $0x0  }
0x12: {  	s1 =	sld [smem:$0x3F98];
	s0 =	simm.s32 @p0 $0x1  }
0x13: {  	[smem:$0x3FB3] =	sst s0;
	s0 =	simm.s32 @!p1 $0x0  }
0x14: {  	s2 =	sld [smem:$0x3F97];
	s0 =	simm.s32 @p1 $0x1  }
0x15: {  	[smem:$0x3FB4] =	sst s0;
	s0 =	simm.s32 @!p2 $0x0  }
0x16: {  	s3 =	sld [smem:$0x3FDB];
	s0 =	simm.s32 @p2 $0x1  }
0x17: {  	s4 =	simm.s32 $0x1BF5;
	[smem:$0x3FB6] =	sst s0  }
0x18: {  	s0 =	sld [smem:$0x3F99];
	_ =	swait.ge [sflag:s4], $0x0  }
0x19: {  	s7 =	sld [smem:$0x3F9A]  }
0x1a: {  	s8 =	sadd.s32 $0xFFFFE003, lr  }
0x1b: {  	s9 =	sadd.s32 $0xFFFFFEF7, lr;
	s5 =	simm.s32 $0xFFFFFFFF;
	p2 =	slt.u32 s8, $0xFFFFF086  }
0x1c: {  	p1 =	slt.u32 s9, $0xF7A;
	s5 =	simm.s32 @!p2 $0x0  }
0x1d: {  	s5 =	simm.s32 @p1 $0x1;
	p0 =	seq.s32 s7, s2  }
0x1e: {  	s7 =	smul.u32 @!p0 $0xF7A, s2;
	p2 =	seq.s32 @!p0 s5, $0x0  }
0x1f: {  	s9 =	smul.u32 $0xF7A, s1;
	s8 =	simm.s32 @!p0 $0x1BF5;
	p2 =	por !p2, p0  }
0x20: {  	[sflag:s8] =	ssyncset.s32 @!p0 $0xFFFFF086;
	s6 =	sadd.s32 @!p0 s3, s7;
	s7 =	simm.s32 @!p0 $0x108  }
0x21: {  	s3 =	sadd.s32 s3, s9;
	s6 =	sadd.s32 @!p0 $0x88, s6;
	s7 =	simm.s32 @p2 $0x1082  }
0x22: {  	[simem:s7], [sflag:s8] =	dma.local @!p0 [hbm:s6], $0xF7A  }
0x23: {  	s9 =	sor.u32 $0xD0000000, s2;
	s6 =	simm.s32 $0x108;
	_ =	swait.ge @!p0 [sflag:s8], $0x0  }
0x24: {  	s3 =	sadd.s32 $0x88, s3;
	s6 =	simm.s32 @!p1 $0x1082;
	[sflag:s4] =	ssyncset.s32 $0xFFFFF086  }
0x25: {  	[simem:s6], [sflag:s4] =	dma.local [hbm:s3], $0xF7A  }
0x26: {  	[smem:$0x3F9A] =	sst s1;
	(tag) =	ssettag s2;
	_ =	strace s9  }
0x27: {  	s1 =	sld [smem:$0x3FAA]  }
0x28: {  	s2 =	sld [smem:$0x3FAB]  }
0x29: {  	s4 =	sld [smem:$0x3FAD]  }
0x2a: {  	p0 =	seq.s32 s5, $0x0;
	s5 =	sld [smem:$0x3FAE]  }
0x2b: {  	s6 =	sld [smem:$0x3FAF]  }
0x2c: {  	s7 =	sld [smem:$0x3FB0]  }
0x2d: {  	s3 =	simm.s32 $0x108;
	s8 =	sld [smem:$0x3FB1]  }
0x2e: {  	s3 =	simm.s32 @!p0 $0x1082;
	s9 =	sld [smem:$0x3FB2]  }
0x2f: {  	lr =	sadd.s32 s0, s3;
	s0 =	sld [smem:$0x3FA9]  }
0x30: {  	s3 =	sld [smem:$0x3FAC]  }
0x31: {  	[smem:$0x3FB5] =	sst s10  }
0x32: {  	s10 =	sld [smem:$0x3FB3];
	_ =	sdelay $0x3  }
0x33: {  	p0 =	seq.s32 s10, $0x1;
	s10 =	sld [smem:$0x3FB5];
	_ =	sdelay $0x3  }
0x34: {  	[smem:$0x3FB5] =	sst s10  }
0x35: {  	s10 =	sld [smem:$0x3FB4];
	_ =	sdelay $0x3  }
0x36: {  	p1 =	seq.s32 s10, $0x1;
	s10 =	sld [smem:$0x3FB5];
	_ =	sdelay $0x3  }
0x37: {  	[smem:$0x3FB5] =	sst s10  }
0x38: {  	s10 =	sld [smem:$0x3FB6]  }
0x39: {  	_ = 	snop;
	(pc) =	sbr.ind lr, $3  }
0x3a: {  	_ = 	snop  }
0x3b: {  	_ = 	snop  }
0x3c: {  	p2 =	seq.s32 s10, $0x1;
	s10 =	sld [smem:$0x3FB5]  }
0x3d: {  	_ =	shalt  }
0x3e: {  	_ =	shalt  }
0x3f: {  	_ =	shalt  }
0x40: {  	_ =	shalt  }
0x41: {  	_ =	shalt  }
0x42: {  	_ =	shalt  }
0x43: {  	_ =	shalt  }
0x44: {  	_ =	shalt  }
0x45: {  	_ =	shalt  }
0x46: {  	_ =	shalt  }
0x47: {  	_ =	shalt  }
0x48: {  	_ =	shalt  }
0x49: {  	_ =	shalt  }
0x4a: {  	_ =	shalt  }
0x4b: {  	_ =	shalt  }
0x4c: {  	_ =	shalt  }
0x4d: {  	_ =	shalt  }
0x4e: {  	_ =	shalt  }
0x4f: {  	_ =	shalt  }
0x50: {  	_ =	shalt  }
0x51: {  	_ =	shalt  }
0x52: {  	_ =	shalt  }
0x53: {  	_ =	shalt  }
0x54: {  	_ =	shalt  }
0x55: {  	_ =	shalt  }
0x56: {  	_ =	shalt  }
0x57: {  	_ =	shalt  }
0x58: {  	_ =	shalt  }
0x59: {  	_ =	shalt  }
0x5a: {  	_ =	shalt  }
0x5b: {  	_ =	shalt  }
0x5c: {  	_ =	shalt  }
0x5d: {  	_ =	shalt  }
0x5e: {  	_ =	shalt  }
0x5f: {  	_ =	shalt  }
0x60: {  	_ =	shalt  }
0x61: {  	_ =	shalt  }
0x62: {  	_ =	shalt  }
0x63: {  	_ =	shalt  }
0x64: {  	_ =	shalt  }
0x65: {  	_ =	shalt  }
0x66: {  	_ =	shalt  }
0x67: {  	_ =	shalt  }
0x68: {  	_ =	shalt  }
0x69: {  	_ =	shalt  }
0x6a: {  	_ =	shalt  }
0x6b: {  	_ =	shalt  }
0x6c: {  	_ =	shalt  }
0x6d: {  	_ =	shalt  }
0x6e: {  	_ =	shalt  }
0x6f: {  	_ =	shalt  }
0x70: {  	_ =	shalt  }
0x71: {  	_ =	shalt  }
0x72: {  	_ =	shalt  }
0x73: {  	_ =	shalt  }
0x74: {  	_ =	shalt  }
0x75: {  	_ =	shalt  }
0x76: {  	_ =	shalt  }
0x77: {  	_ =	shalt  }
0x78: {  	_ =	shalt  }
0x79: {  	_ =	shalt  }
0x7a: {  	_ =	shalt  }
0x7b: {  	_ =	shalt  }
0x7c: {  	_ =	shalt  }
0x7d: {  	_ =	shalt  }
0x7e: {  	_ =	shalt  }
0x7f: {  	_ =	shalt  }
0x80: {  	_ =	shalt  }
0x81: {  	_ =	shalt  }
0x82: {  	_ =	shalt  }
0x83: {  	_ =	shalt  }
0x84: {  	_ =	shalt  }
0x85: {  	_ =	shalt  }
0x86: {  	_ =	shalt  }
0x87: {  	_ =	shalt  }
.Lfunc_end0:
.L_simem_size_0:
called_computation_lowered:
.L_overlay_start_0:
0x88: {  	s2 =	sld [smem:$0x3FD9]  }
0x89: {  	s3 =	sld [smem:$0x3FFE];
	_ =	sdelay $0x1  }
0x8a: {  	s1 =	srdreg.scid  }
0x8b: {  	s0 =	sand.u32 $0x1, s1  }
0x8c: {  	s16 =	sshll.u32 s0, $0xA;
	s2 =	sadd.s32 s3, s2  }
0x8d: {  	s2 =	sadd.s32 s2, s16  }
0x8e: {  	[smem:$0x3FC1] =	sst s2  }
0x8f: {  	_ = 	snop  }
0x90: {  	(tm) =	ssettm $0x1  }
0x91: {  	s17 =	sld [smem:$0x3FFB];
	_ =	sdelay $0x3  }
0x92: {  	_ =	strace s17  }
0x93: {  	s2 =	sld [smem:$0x3FFC];
	_ =	sdelay $0x3  }
0x94: {  	_ =	strace s2  }
0x95: {  	s2 =	sld [smem:$0x3FFD];
	_ =	sdelay $0x3  }
0x96: {  	_ =	strace s2  }
0x97: {  	_ =	strace $0x8FFFFFFF  }
0x98: {  	s18 =	sld [smem:$0x3FDB];
	_ =	sdelay $0x1  }
0x99: {  	s19 =	simm.s32 $_scs_section_size  }
0x9a: {  	s4 =	simm.s32 $_size__tile_overlayer_lowered;
	s5 =	simm.s32 $_tile_overlayer_lowered  }
0x9b: {  	s22 =	simm.s32 $0x1BFF;
	s21 =	sshll.u32 s5, $0x1;
	s2 =	sadd.s32 s19, s18  }
0x9c: {  	s6 =	simm.s32 $0x0;
	s20 =	sshll.u32 s4, $0x1;
	s4 =	sadd.s32 s21, s2  }
0x9d: {  	[timem:s6], [sflag:s22] =	dma.local [hbm:s4], s20  }
0x9e: {  	_ =	swait.ge [sflag:s22], s20  }
0x9f: {  	s3 =	ssub.s32 $0x0, s20;
	[sflag:s22] =	ssyncset.done $0x0  }
0xa0: {  	[sflag:s22] =	ssyncadd.s32 s3;
	_ =	sdelay $0x1  }
0xa1: {  	s23 =	simm.s32 $0x1B8B  }
0xa2: {  	_ =	swait.ge [sflag:s23], $0x1  }
0xa3: {  	[sflag:s23] =	ssyncset.done $0x0  }
0xa4: {  	s25 =	simm.s32 $0x1B8E;
	s24 =	sld [smem:$0x3FFE];
	[sflag:s23] =	ssyncadd.s32 $0xFFFFFFFF  }
0xa5: {  	s26 =	simm.s32 $execute0_lowered;
	[smem:$0x3FD2] =	sst s25  }
0xa6: {  	s4 =	sshll.u32 s26, $0x1;
	_ =	strace $0x80000046;
	[dreg:$0x1] =	wrdreg $0xFFFFFFFF  }
0xa7: {  	s28 =	simm.s32 $_size_execute0_lowered;
	s2 =	sadd.s32 s2, s4;
	[dreg:$0x0] =	wrdreg $0x0  }
0xa8: {  	s4 =	sshll.u32 s28, $0x1;
	[dreg:$0x2] =	wrdreg s2  }
0xa9: {  	[dreg:$0x3] =	wrdreg s4  }
0xaa: {  	[dreg:$0x4] =	wrdreg $0xC0  }
0xab: {  	_ =	task [dreg:s6], $0x5FFFF  }
0xac: {  	[dreg:$0x1] =	wrdreg $0xFFFFFFFF  }
0xad: {  	[dreg:$0x0] =	wrdreg $0x60  }
0xae: {  	[dreg:$0x2] =	wrdreg s24  }
0xaf: {  	[dreg:$0x3] =	wrdreg $0x9  }
0xb0: {  	_ =	task.clear_ibuf [dreg:s6], $0x4FFFF;
	_ =	strace $0x90000046  }
0xb1: {  	s29 =	simm.s32 $0x9;
	_ =	strace $0x80000048  }
0xb2: {  	_ =	swait.ge [sflag:s29], $0x1  }
0xb3: {  	[sflag:s29] =	ssyncadd.s32 $0xFFFFFFFF  }
0xb4: {  	_ =	strace $0x90000048  }
0xb5: {  	_ =	sfence  }
0xb6: {  	s30 =	sld [smem:$0x0];
	_ =	sdelay $0x2  }
0xb7: {  	s31 =	sshll.u32 s1, $0xD;
	s1 =	sshrl.u32 s1, $0x2  }
0xb8: {  	s3 =	sand.u32 $0x4000, s31;
	s1 =	sadd.s32 s1, s30  }
0xb9: {  	s0 =	sor.u32 s3, s0;
	s1 =	sshll.u32 s1, $0x11  }
0xba: {  	s0 =	sor.u32 s1, s0  }
0xbb: {  	s0 =	sadd.s32 $0x8F2B, s0  }
0xbc: {  	[sflag:s0] =	ssyncadd.remote.s32 $0x1  }
0xbd: {  	_ =	sfence.sel $0xFFFF  }
0xbe: {  	[dreg:$0x0] =	wrdreg $0xFFFFFFFF;
	(pc) =	sbr.abs _section_cstart, $3  }
0xbf: {  	[dreg:$0x1] =	wrdreg $0xFFFFFFFF  }
0xc0: {  	_ =	task.clear_ibuf [dreg:s6], $0x2FFFF;
	_ =	strace $0x9FFFFFFF  }
0xc1: {  	(tm) =	ssettm $0x7FFFFFFF  }
tec
execute0_lowered:
.L_overlay_start_1:
0x0: {  	(tag) =	ssettag $0x1  }
0x1: {  	s6 =	rddreg [dreg:$0x0]  }
0x2: {  	s0 =	rddreg [dreg:$0x1]  }
0x3: {  	s3 =	srdreg.scid;
	s1 =	stileid.u32;
	s2 =	simm.s32 $0x0  }
0x4: {  	s18 =	simm.s32 $0x13C40;
	s19 =	simm.s32 $0x18A60;
	s20 =	simm.s32 $0x1  }
0x5: {  	s21 =	simm.s32 $0x7800;
	s22 =	simm.s32 $0x1D880;
	s23 =	simm.s32 $0x2  }
0x6: {  	s24 =	simm.s32 $0x0;
	s10 =	sand.u32 $0x1, s3;
	s30 =	sshll.u32 s1, $0x1  }
0x7: {  	[smem:$0x7FF] =	sst s2;
	s3 =	sadd.s32 $0x50200, s6;
	s4 =	sadd.s32 $0x50800, s6  }
0x8: {  	s5 =	sadd.s32 $0x50E00, s6;
	s16 =	smul.u32 $0x9C40, s1;
	s7 =	sor.u32 s10, s30  }
0x9: {  	_ =	strace $0x80000047;
	s11 =	ssub.s32 $0x2, s10;
	s8 =	smul.u32 $0x4E20, s7  }
0xa: {  	s9 =	smul.u32 $0x500, s7;
	s7 =	sshll.u32 s7, $0x3;
	s31 =	sshrl.u32 s11, $0x1  }
0xb: {  	s17 =	smul.u32 $0x4E20, s10;
	s13 =	sadd.s32 s7, s6;
	s15 =	ssub.s32 s11, s31  }
0xc: {  	s8 =	sshrl.u32 s8, $0x3;
	s14 =	sadd.s32 s9, s6;
	s10 =	sadd.s32 $0x51A00, s13  }
0xd: {  	s13 =	sadd.s32 s17, s16;
	s16 =	simm.s32 $0xA000;
	s17 =	simm.s32 $0xEE20  }
0xe: {  	s12 =	sadd.s32 s8, s6;
	s11 =	sadd.s32 $0x51C00, s14;
	s14 =	simm.s32 $0x2800  }
0xf: {  	s6 =	sadd.s32 $0x3C800, s12;
	s7 =	sadd.s32 $0x28E00, s12;
	s8 =	sadd.s32 $0x1A00, s12  }
0x10: {  	v0 =	vimm.s32 $0xFFFFFFFF;
	v1 =	vlaneseq.u32;
	v2 =	vimm.f32 $0.0e+00;
	s9 =	sadd.s32 $0x15400, s12;
	s12 =	smax.u32 s15, $0x1;
	s15 =	simm.s32 $0x5000  }
.LBB2_1:
0x11: {  	[tilespmem:s2], [sflag:$0x1] =	stream.linear.gather [hbm4b:s3+s2], $0x2800, $0x38;
	[tilespmem:$0x1D8C0] =	vst v63  }
0x12: {  	_ = 	snop  }
0x13: {  	[tilespmem:s14], [sflag:$0x1] =	stream.linear.gather [hbm4b:s4+s2], $0x2800, $0x38;
	[tilespmem:$0x1D8C0] =	vst v63  }
0x14: {  	_ = 	snop  }
0x15: {  	[tilespmem:s15], [sflag:$0x1] =	stream.linear.gather [hbm4b:s5+s2], $0x2800, $0x38;
	[tilespmem:$0x1D8C0] =	vst v63  }
0x16: {  	_ = 	snop  }
0x17: {  	[tilespmem:s16], [sflag:$0x1] =	stream.linear.gather [hbm4b:s6+s2], $0x4E20, $0x38;
	[tilespmem:$0x1D8C0] =	vst v63  }
0x18: {  	_ = 	snop  }
0x19: {  	[tilespmem:s17], [sflag:$0x1] =	stream.linear.gather [hbm4b:s7+s2], $0x4E20, $0x38;
	[tilespmem:$0x1D8C0] =	vst v63  }
0x1a: {  	_ = 	snop  }
0x1b: {  	[tilespmem:s18], [sflag:$0x1] =	stream.linear.gather [hbm4b:s8+s2], $0x4E20, $0x38;
	[tilespmem:$0x1D8C0] =	vst v63  }
0x1c: {  	s25 =	simm.s32 $0x40;
	s26 =	simm.s32 $0x0  }
0x1d: {  	[tilespmem:s19], [sflag:$0x1] =	stream.linear.gather [hbm4b:s9+s2], $0x4E20, $0x38;
	[tilespmem:$0x1D8C0] =	vst v63  }
.LBB2_2:
0x1e: {  	p0 =	sne.s32 s25, $0x9FC0;
	[tilespmem:s26+$0x7800] =	vst v0;
	s26 =	smov.u32 s25;
	s25 =	sadd.s32 $0x40, s25  }
.Ltmp0:
0x1f: {  	(pc) =	sbr.rel @p0 .LBB2_2-.Ltmp0, $2  }
0x20: {  	_ =	sdelay $0x2  }
0x21: {  	s26 =	sshra.s32 s26, $0x2  }
0x22: {  	[tilespmem:s26+$0x7800] =	vst v0  }
0x23: {  	_ =	swait.ge [sflag:s20], $0x2800  }
0x24: {  	[sflag:s20] =	ssyncset.done $0x0  }
0x25: {  	[sflag:s20] =	ssyncadd.s32 $0xFFFFD800  }
0x26: {  	_ =	swait.ge [sflag:s20], $0x2800  }
0x27: {  	[sflag:s20] =	ssyncset.done $0x0  }
0x28: {  	[sflag:s20] =	ssyncadd.s32 $0xFFFFD800  }
0x29: {  	_ =	swait.ge [sflag:s20], $0x2800  }
0x2a: {  	[sflag:s20] =	ssyncset.done $0x0  }
0x2b: {  	[sflag:s20] =	ssyncadd.s32 $0xFFFFD800  }
0x2c: {  	_ =	swait.ge [sflag:s20], $0x4E20  }
0x2d: {  	[sflag:s20] =	ssyncset.done $0x0  }
0x2e: {  	[sflag:s20] =	ssyncadd.s32 $0xFFFFB1E0  }
0x2f: {  	_ =	swait.ge [sflag:s20], $0x4E20  }
0x30: {  	[sflag:s20] =	ssyncset.done $0x0  }
0x31: {  	[sflag:s20] =	ssyncadd.s32 $0xFFFFB1E0  }
0x32: {  	_ =	swait.ge [sflag:s20], $0x4E20  }
0x33: {  	[sflag:s20] =	ssyncset.done $0x0  }
0x34: {  	[sflag:s20] =	ssyncadd.s32 $0xFFFFB1E0  }
0x35: {  	_ =	swait.ge [sflag:s20], $0x4E20  }
0x36: {  	[sflag:s20] =	ssyncset.done $0x0  }
0x37: {  	s25 =	simm.s32 $0x0;
	[sflag:s20] =	ssyncadd.s32 $0xFFFFB1E0  }
0x38: {  	v3 =	vld [tilespmem:s25+$0xA000];
	_ =	sdelay $0x2  }
0x39: {  	v4 =	vld [tilespmem:s25+$0xEE20];
	_ =	sdelay $0x2  }
0x3a: {  	v5 =	vld [tilespmem:s25+$0x18A60]  }
0x3b: {  	v10 =	vld [tilespmem:s25+$0x13C40]  }
0x3c: {  	v11 =	vld.idx.msk [tilespmem:v3+s2+$0x0], $0xffff  }
0x3d: {  	v14 =	vld.idx.msk [tilespmem:v3+s15+$0x0], $0xffff  }
0x3e: {  	v3 =	vld.idx.msk [tilespmem:v3+s14+$0x0], $0xffff  }
0x3f: {  	v16 =	vld.idx.msk [tilespmem:v4+s15+$0x0], $0xffff  }
0x40: {  	v6 =	vor.u32 s13, v1;
	v17 =	vld.idx.msk [tilespmem:v4+s2+$0x0], $0xffff  }
0x41: {  	v5 =	vmul.f32 v5, v5;
	v13 =	vld.idx.msk [tilespmem:v4+s14+$0x0], $0xffff;
	[tilespmem:v4+s21+$0x0] =	vst.idx.msk $0xffff, v6  }
0x42: {  	v6 =	vld [tilespmem:s25+$0x18A70]  }
0x43: {  	(erf) = vrcp.f32 v5;
	v4 =	vld [tilespmem:s25+$0xEE30]  }
0x44: {  	v7 =	vmul.f32 v5, v5  }
0x45: {  	v15 =	vld [tilespmem:s25+$0xA010]  }
0x46: {  	(erf) = vrcp.f32 v7  }
0x47: {  	v5 =	vmul.f32 v6, v6;
	_ =	sdelay $0x1  }
0x48: {  	(erf) = vrcp.f32 v5  }
0x49: {  	v7 =	vld [tilespmem:s25+$0x13C50];
	v5 =	vmul.f32 v5, v5  }
0x4a: {  	v6 =	vld.idx.msk [tilespmem:v4+s15+$0x0], $0xffff  }
0x4b: {  	v18 =	vpop (erf);
	v9 =	vld.idx.msk [tilespmem:v4+s2+$0x0], $0xffff;
	(erf) = vrcp.f32 v5  }
0x4c: {  	v8 =	vld.idx.msk [tilespmem:v15+s15+$0x0], $0xffff  }
0x4d: {  	s31 =	sadd.s32 $0x10, s13;
	v12 =	vld.idx.msk [tilespmem:v15+s14+$0x0], $0xffff;
	v18 =	vmul.f32 v18, v10  }
0x4e: {  	v20 =	vor.u32 s31, v1;
	v3 =	vsub.f32 v3, v13;
	v13 =	vld.idx.msk [tilespmem:v15+s2+$0x0], $0xffff;
	v19 =	vpop (erf)  }
0x4f: {  	s25 =	simm.s32 $0x20;
	v15 =	vld.idx.msk [tilespmem:v4+s14+$0x0], $0xffff;
	[tilespmem:v4+s21+$0x0] =	vst.idx.msk $0xffff, v20;
	v20 =	vsub.f32 v11, v17;
	v19 =	vmul.f32 v19, v10  }
0x50: {  	v4 =	vimm.f32 $0.0e+00;
	v17 =	vld [tilespmem:s25+$0xA000];
	v5 =	vimm.f32 $0.0e+00;
	v10 =	vsub.f32 v14, v16  }
0x51: {  	s28 =	simm.s32 $0x100;
	s26 =	smov.u32 s13;
	v11 =	vmul.f32 v3, v18;
	v16 =	vld [tilespmem:s25+$0xEE20];
	v3 =	vimm.f32 $0.0e+00;
	v14 =	vmul.f32 v19, v20;
	v18 =	vpop (erf)  }
.LBB2_4:
0x52: {  	p0 =	sne.s32 s28, $0x13800  }
0x53: {  	s26 =	sadd.s32 $0x20, s26;
	s29 =	smov.u32 s28;
	s28 =	sadd.s32 $0x80, s28  }
0x54: {  	v4 =	vadd.f32 v10, v4;
	v10 =	vsub.f32 v12, v15;
	v12 =	vpop (erf)  }
0x55: {  	v9 =	vsub.f32 v13, v9;
	v12 =	vmul.f32 v12, v7;
	v7 =	vmul.f32 v18, v7  }
0x56: {  	v5 =	vadd.f32 v14, v5;
	v6 =	vsub.f32 v8, v6;
	v13 =	vld [tilespmem:s25+$0x18A60]  }
0x57: {  	v3 =	vadd.f32 v11, v3;
	v8 =	vld [tilespmem:s25+$0x13C40];
	v9 =	vmul.f32 v12, v9;
	v7 =	vmul.f32 v10, v7  }
0x58: {  	v4 =	vadd.f32 v6, v4;
	v11 =	vld.idx.msk [tilespmem:v17+s2+$0x0], $0xffff  }
0x59: {  	v6 =	vld.idx.msk [tilespmem:v17+s15+$0x0], $0xffff;
	v5 =	vadd.f32 v9, v5;
	v3 =	vadd.f32 v7, v3  }
0x5a: {  	v7 =	vld.idx.msk [tilespmem:v17+s14+$0x0], $0xffff  }
0x5b: {  	v9 =	vld.idx.msk [tilespmem:v16+s15+$0x0], $0xffff;
	v10 =	vmul.f32 v13, v13  }
0x5c: {  	v13 =	vor.u32 s26, v1;
	v12 =	vld.idx.msk [tilespmem:v16+s2+$0x0], $0xffff  }
0x5d: {  	v14 =	vld.idx.msk [tilespmem:v16+s14+$0x0], $0xffff;
	v15 =	vmul.f32 v10, v10;
	(erf) = vrcp.f32 v10  }
0x5e: {  	[tilespmem:v16+s21+$0x0] =	vst.idx.msk $0xffff, v13  }
0x5f: {  	v16 =	vld [tilespmem:s25+$0xEE30];
	(erf) = vrcp.f32 v15  }
0x60: {  	v13 =	vld [tilespmem:s25+$0x18A70]  }
0x61: {  	v10 =	vsub.f32 v6, v9;
	v15 =	vld [tilespmem:s25+$0xA010]  }
0x62: {  	v17 =	vsub.f32 v11, v12  }
0x63: {  	v11 =	vsub.f32 v7, v14;
	_ =	sdelay $0x1  }
0x64: {  	v9 =	vmul.f32 v13, v13  }
0x65: {  	v7 =	vld [tilespmem:s25+$0x13C50];
	v12 =	vpop (erf)  }
0x66: {  	v6 =	vld.idx.msk [tilespmem:v16+s15+$0x0], $0xffff;
	v13 =	vmul.f32 v9, v9;
	(erf) = vrcp.f32 v9  }
0x67: {  	v12 =	vmul.f32 v12, v8;
	v9 =	vld.idx.msk [tilespmem:v16+s2+$0x0], $0xffff;
	v14 =	vpop (erf)  }
0x68: {  	v14 =	vmul.f32 v14, v8;
	v8 =	vld.idx.msk [tilespmem:v15+s15+$0x0], $0xffff;
	(erf) = vrcp.f32 v13  }
0x69: {  	v11 =	vmul.f32 v11, v12;
	v12 =	vld.idx.msk [tilespmem:v15+s14+$0x0], $0xffff  }
0x6a: {  	s25 =	sadd.s32 $0x10, s26;
	v14 =	vmul.f32 v14, v17;
	v13 =	vld.idx.msk [tilespmem:v15+s2+$0x0], $0xffff  }
.Ltmp1:
0x6b: {  	v17 =	vor.u32 s25, v1;
	v15 =	vld.idx.msk [tilespmem:v16+s14+$0x0], $0xffff;
	(pc) =	sbr.rel @p0 .LBB2_4-.Ltmp1, $4  }
0x6c: {  	s25 =	sshra.s32 s29, $0x2;
	[tilespmem:v16+s21+$0x0] =	vst.idx.msk $0xffff, v17  }
0x6d: {  	v17 =	vld [tilespmem:s25+$0xA000]  }
0x6e: {  	v16 =	vld [tilespmem:s25+$0xEE20]  }
0x6f: {  	v18 =	vpop (erf)  }
0x70: {  	_ =	sdelay $0x3  }
0x71: {  	v19 =	vld [tilespmem:s25+$0x18A60]  }
0x72: {  	v20 =	vld [tilespmem:s25+$0x13C40]  }
0x73: {  	v21 =	vld.idx.msk [tilespmem:v17+s2+$0x0], $0xffff  }
0x74: {  	v22 =	vld.idx.msk [tilespmem:v17+s15+$0x0], $0xffff  }
0x75: {  	v37 =	vld.idx.msk [tilespmem:v17+s14+$0x0], $0xffff  }
0x76: {  	s26 =	sadd.s32 $0x20, s26;
	v23 =	vld.idx.msk [tilespmem:v16+s15+$0x0], $0xffff  }
0x77: {  	v25 =	vor.u32 s26, v1;
	v24 =	vld.idx.msk [tilespmem:v16+s2+$0x0], $0xffff  }
0x78: {  	v26 =	vld.idx.msk [tilespmem:v16+s14+$0x0], $0xffff;
	[tilespmem:v16+s21+$0x0] =	vst.idx.msk $0xffff, v25  }
0x79: {  	v16 =	vld [tilespmem:s25+$0x18A70]  }
0x7a: {  	v25 =	vld [tilespmem:s25+$0xEE30]  }
0x7b: {  	v28 =	vld [tilespmem:s25+$0xA010]  }
0x7c: {  	v19 =	vmul.f32 v19, v19;
	_ =	sdelay $0x1  }
0x7d: {  	v27 =	vmul.f32 v19, v19;
	v16 =	vmul.f32 v16, v16  }
0x7e: {  	(erf) = vrcp.f32 v19  }
0x7f: {  	(erf) = vrcp.f32 v27;
	v38 =	vmul.f32 v16, v16  }
0x80: {  	v40 =	vld [tilespmem:s25+$0x13C50];
	(erf) = vrcp.f32 v16  }
0x81: {  	v41 =	vld.idx.msk [tilespmem:v25+s2+$0x0], $0xffff;
	(erf) = vrcp.f32 v38  }
0x82: {  	v9 =	vsub.f32 v13, v9;
	v44 =	vld.idx.msk [tilespmem:v28+s14+$0x0], $0xffff  }
0x83: {  	v4 =	vadd.f32 v10, v4;
	v6 =	vsub.f32 v8, v6;
	v46 =	vld.idx.msk [tilespmem:v28+s2+$0x0], $0xffff  }
0x84: {  	v42 =	vsub.f32 v12, v15;
	v43 =	vmul.f32 v18, v7;
	v5 =	vadd.f32 v14, v5;
	v39 =	vpop (erf);
	v48 =	vld.idx.msk [tilespmem:v25+s14+$0x0], $0xffff  }
0x85: {  	v3 =	vadd.f32 v11, v3;
	s31 =	sadd.s32 $0x10, s26;
	v4 =	vadd.f32 v6, v4;
	v16 =	vmul.f32 v39, v7;
	v51 =	vld.idx.msk [tilespmem:v25+s15+$0x0], $0xffff  }
0x86: {  	v63 =	vor.u32 s31, v1;
	v54 =	vsub.f32 v22, v23;
	v7 =	vmul.f32 v42, v43;
	v56 =	vld.idx.msk [tilespmem:v28+s15+$0x0], $0xffff  }
0x87: {  	v50 =	vsub.f32 v21, v24;
	v55 =	vsub.f32 v37, v26;
	v45 =	vmul.f32 v16, v9;
	v47 =	vpop (erf)  }
0x88: {  	v4 =	vadd.f32 v54, v4;
	v3 =	vadd.f32 v7, v3;
	v14 =	vmul.f32 v47, v20;
	v49 =	vpop (erf)  }
0x89: {  	v5 =	vadd.f32 v45, v5;
	v58 =	vsub.f32 v46, v41;
	v52 =	vmul.f32 v49, v20;
	v53 =	vpop (erf)  }
0x8a: {  	v10 =	vsub.f32 v44, v48;
	v60 =	vmul.f32 v55, v14;
	v11 =	vmul.f32 v53, v40;
	v57 =	vpop (erf)  }
0x8b: {  	v7 =	vsub.f32 v56, v51;
	v6 =	vmul.f32 v52, v50;
	v59 =	vmul.f32 v57, v40  }
0x8c: {  	[tilespmem:v25+s21+$0x0] =	vst.idx.msk $0xffff, v63;
	v3 =	vadd.f32 v60, v3;
	v62 =	vmul.f32 v10, v11  }
0x8d: {  	v4 =	vadd.f32 v7, v4;
	v5 =	vadd.f32 v6, v5;
	v61 =	vmul.f32 v59, v58  }
0x8e: {  	[tilespmem:$0x1D8B0] =	vst v2;
	v3 =	vadd.f32 v62, v3  }
0x8f: {  	[tilespmem:$0x1D8A0] =	vst v4;
	v5 =	vadd.f32 v61, v5  }
0x90: {  	[tilespmem:$0x1D890] =	vst v3  }
0x91: {  	[tilespmem:$0x1D880] =	vst v5  }
0x92: {  	[hbm4b:s10+s2] =	stream.linear.scatter [tilespmem:s22], [sflag:$0x2], $0x40, $0x38;
	[tilespmem:$0x1D8C0] =	vst v63  }
0x93: {  	s24 =	sadd.s32 $0x1, s24;
	_ =	swait.ge [sflag:s23], $0x40  }
0x94: {  	p0 =	sne.s32 s24, s12;
	[sflag:s23] =	ssyncset.done $0x0  }
.Ltmp2:
0x95: {  	[sflag:s23] =	ssyncadd.s32 $0xFFFFFFC0;
	(pc) =	sbr.rel @p0 .LBB2_1-.Ltmp2, $4  }
0x96: {  	[hbm4b:s11+s2] =	stream.linear.scatter [tilespmem:s21], [sflag:$0x2], $0x2800, $0x38;
	[tilespmem:$0x1D8C0] =	vst v63  }
0x97: {  	_ =	swait.ge [sflag:s23], $0x2800  }
0x98: {  	[sflag:s23] =	ssyncset.done $0x0  }
0x99: {  	[sflag:s23] =	ssyncadd.s32 $0xFFFFD800  }
0x9a: {  	_ =	sfence.sel $0x180000  }
0x9b: {  	[bflag:$0x0] =	sbarrier.arrive $0xFFFF  }
0x9c: {  	p0 =	sne.s32 s1, $0x0;
	_ =	strace $0x90000047  }
0x9d: {  	s0 =	sadd.s32 @!p0 $0x100000, s0;
	[bflag:$0x2] =	sbarrier.arrive $0xFFFF  }
0x9e: {  	[sflag:s0] =	ssyncadd.tile.s32 @!p0 $0x1;
	_ =	shalt  }
.Lfunc_end2:
_tile_overlayer_lowered:
.L_overlay_start_2:
0x9f: {  	(tag) =	ssettag $0x2  }
0xa0: {  	s0 =	rddreg [dreg:$0x0];
	s2 =	stileid.u32  }
0xa1: {  	s1 =	rddreg [dreg:$0x1];
	p0 =	sne.s32 s2, $0x0  }
0xa2: {  	s3 =	rddreg [dreg:$0x2];
	[bflag:$0x3] =	sbarrier.arrive $0xFFFF;
	s2 =	simm.s32 @!p0 $0x1C02  }
0xa3: {  	[timem:s3], [sflag:s2] =	dma.local @!p0 [hbm:s0], s1  }
0xa4: {  	s0 =	simm.s32 @!p0 $0x2  }
0xa5: {  	_ =	swait.ge @!p0 [sflag:s0], s1  }
0xa6: {  	s1 =	ssub.s32 @!p0 $0x0, s1;
	[sflag:s0] =	ssyncset.done @!p0 $0x0  }
0xa7: {  	[sflag:s0] =	ssyncadd.s32 @!p0 s1  }
0xa8: {  	[bflag:$0x3] =	sbarrier.arrive $0xFFFF  }
0xa9: {  	_ =	shalt  }

// kernel: kernel.8.cloned.1.call-start
scs
__scs_entry_jumppad:
0x0: {  	(pc) =	sbr.rel $0x88, $3  }
0x1: {  	(tag) =	ssettag $0x0;
	lr =	simm.s32 $0x1  }
0x2: {  	[smem:$0x3F9A] =	sst lr;
	_ =	strace $0xD0000000  }
0x3: {  	_ = 	snop  }
0x4: {  	_ = 	snop  }
0x5: {  	_ = 	snop  }
0x6: {  	_ = 	snop  }
0x7: {  	_ = 	snop  }
__scs_overlays_trampoline_lowered:
0x8: {  	[smem:$0x3FA9] =	sst s0  }
0x9: {  	[smem:$0x3FAA] =	sst s1  }
0xa: {  	[smem:$0x3FAB] =	sst s2  }
0xb: {  	[smem:$0x3FAC] =	sst s3  }
0xc: {  	[smem:$0x3FAD] =	sst s4  }
0xd: {  	[smem:$0x3FAE] =	sst s5  }
0xe: {  	[smem:$0x3FAF] =	sst s6  }
0xf: {  	[smem:$0x3FB0] =	sst s7  }
0x10: {  	[smem:$0x3FB1] =	sst s8  }
0x11: {  	[smem:$0x3FB2] =	sst s9;
	s0 =	simm.s32 @!p0 $0x0  }
0x12: {  	s1 =	sld [smem:$0x3F98];
	s0 =	simm.s32 @p0 $0x1  }
0x13: {  	[smem:$0x3FB3] =	sst s0;
	s0 =	simm.s32 @!p1 $0x0  }
0x14: {  	s2 =	sld [smem:$0x3F97];
	s0 =	simm.s32 @p1 $0x1  }
0x15: {  	[smem:$0x3FB4] =	sst s0;
	s0 =	simm.s32 @!p2 $0x0  }
0x16: {  	s3 =	sld [smem:$0x3FDB];
	s0 =	simm.s32 @p2 $0x1  }
0x17: {  	s4 =	simm.s32 $0x1BF5;
	[smem:$0x3FB6] =	sst s0  }
0x18: {  	s0 =	sld [smem:$0x3F99];
	_ =	swait.ge [sflag:s4], $0x0  }
0x19: {  	s7 =	sld [smem:$0x3F9A]  }
0x1a: {  	s8 =	sadd.s32 $0xFFFFE003, lr  }
0x1b: {  	s9 =	sadd.s32 $0xFFFFFEF7, lr;
	s5 =	simm.s32 $0xFFFFFFFF;
	p2 =	slt.u32 s8, $0xFFFFF086  }
0x1c: {  	p1 =	slt.u32 s9, $0xF7A;
	s5 =	simm.s32 @!p2 $0x0  }
0x1d: {  	s5 =	simm.s32 @p1 $0x1;
	p0 =	seq.s32 s7, s2  }
0x1e: {  	s7 =	smul.u32 @!p0 $0xF7A, s2;
	p2 =	seq.s32 @!p0 s5, $0x0  }
0x1f: {  	s9 =	smul.u32 $0xF7A, s1;
	s8 =	simm.s32 @!p0 $0x1BF5;
	p2 =	por !p2, p0  }
0x20: {  	[sflag:s8] =	ssyncset.s32 @!p0 $0xFFFFF086;
	s6 =	sadd.s32 @!p0 s3, s7;
	s7 =	simm.s32 @!p0 $0x108  }
0x21: {  	s3 =	sadd.s32 s3, s9;
	s6 =	sadd.s32 @!p0 $0x88, s6;
	s7 =	simm.s32 @p2 $0x1082  }
0x22: {  	[simem:s7], [sflag:s8] =	dma.local @!p0 [hbm:s6], $0xF7A  }
0x23: {  	s9 =	sor.u32 $0xD0000000, s2;
	s6 =	simm.s32 $0x108;
	_ =	swait.ge @!p0 [sflag:s8], $0x0  }
0x24: {  	s3 =	sadd.s32 $0x88, s3;
	s6 =	simm.s32 @!p1 $0x1082;
	[sflag:s4] =	ssyncset.s32 $0xFFFFF086  }
0x25: {  	[simem:s6], [sflag:s4] =	dma.local [hbm:s3], $0xF7A  }
0x26: {  	[smem:$0x3F9A] =	sst s1;
	(tag) =	ssettag s2;
	_ =	strace s9  }
0x27: {  	s1 =	sld [smem:$0x3FAA]  }
0x28: {  	s2 =	sld [smem:$0x3FAB]  }
0x29: {  	s4 =	sld [smem:$0x3FAD]  }
0x2a: {  	p0 =	seq.s32 s5, $0x0;
	s5 =	sld [smem:$0x3FAE]  }
0x2b: {  	s6 =	sld [smem:$0x3FAF]  }
0x2c: {  	s7 =	sld [smem:$0x3FB0]  }
0x2d: {  	s3 =	simm.s32 $0x108;
	s8 =	sld [smem:$0x3FB1]  }
0x2e: {  	s3 =	simm.s32 @!p0 $0x1082;
	s9 =	sld [smem:$0x3FB2]  }
0x2f: {  	lr =	sadd.s32 s0, s3;
	s0 =	sld [smem:$0x3FA9]  }
0x30: {  	s3 =	sld [smem:$0x3FAC]  }
0x31: {  	[smem:$0x3FB5] =	sst s10  }
0x32: {  	s10 =	sld [smem:$0x3FB3];
	_ =	sdelay $0x3  }
0x33: {  	p0 =	seq.s32 s10, $0x1;
	s10 =	sld [smem:$0x3FB5];
	_ =	sdelay $0x3  }
0x34: {  	[smem:$0x3FB5] =	sst s10  }
0x35: {  	s10 =	sld [smem:$0x3FB4];
	_ =	sdelay $0x3  }
0x36: {  	p1 =	seq.s32 s10, $0x1;
	s10 =	sld [smem:$0x3FB5];
	_ =	sdelay $0x3  }
0x37: {  	[smem:$0x3FB5] =	sst s10  }
0x38: {  	s10 =	sld [smem:$0x3FB6]  }
0x39: {  	_ = 	snop;
	(pc) =	sbr.ind lr, $3  }
0x3a: {  	_ = 	snop  }
0x3b: {  	_ = 	snop  }
0x3c: {  	p2 =	seq.s32 s10, $0x1;
	s10 =	sld [smem:$0x3FB5]  }
0x3d: {  	_ =	shalt  }
0x3e: {  	_ =	shalt  }
0x3f: {  	_ =	shalt  }
0x40: {  	_ =	shalt  }
0x41: {  	_ =	shalt  }
0x42: {  	_ =	shalt  }
0x43: {  	_ =	shalt  }
0x44: {  	_ =	shalt  }
0x45: {  	_ =	shalt  }
0x46: {  	_ =	shalt  }
0x47: {  	_ =	shalt  }
0x48: {  	_ =	shalt  }
0x49: {  	_ =	shalt  }
0x4a: {  	_ =	shalt  }
0x4b: {  	_ =	shalt  }
0x4c: {  	_ =	shalt  }
0x4d: {  	_ =	shalt  }
0x4e: {  	_ =	shalt  }
0x4f: {  	_ =	shalt  }
0x50: {  	_ =	shalt  }
0x51: {  	_ =	shalt  }
0x52: {  	_ =	shalt  }
0x53: {  	_ =	shalt  }
0x54: {  	_ =	shalt  }
0x55: {  	_ =	shalt  }
0x56: {  	_ =	shalt  }
0x57: {  	_ =	shalt  }
0x58: {  	_ =	shalt  }
0x59: {  	_ =	shalt  }
0x5a: {  	_ =	shalt  }
0x5b: {  	_ =	shalt  }
0x5c: {  	_ =	shalt  }
0x5d: {  	_ =	shalt  }
0x5e: {  	_ =	shalt  }
0x5f: {  	_ =	shalt  }
0x60: {  	_ =	shalt  }
0x61: {  	_ =	shalt  }
0x62: {  	_ =	shalt  }
0x63: {  	_ =	shalt  }
0x64: {  	_ =	shalt  }
0x65: {  	_ =	shalt  }
0x66: {  	_ =	shalt  }
0x67: {  	_ =	shalt  }
0x68: {  	_ =	shalt  }
0x69: {  	_ =	shalt  }
0x6a: {  	_ =	shalt  }
0x6b: {  	_ =	shalt  }
0x6c: {  	_ =	shalt  }
0x6d: {  	_ =	shalt  }
0x6e: {  	_ =	shalt  }
0x6f: {  	_ =	shalt  }
0x70: {  	_ =	shalt  }
0x71: {  	_ =	shalt  }
0x72: {  	_ =	shalt  }
0x73: {  	_ =	shalt  }
0x74: {  	_ =	shalt  }
0x75: {  	_ =	shalt  }
0x76: {  	_ =	shalt  }
0x77: {  	_ =	shalt  }
0x78: {  	_ =	shalt  }
0x79: {  	_ =	shalt  }
0x7a: {  	_ =	shalt  }
0x7b: {  	_ =	shalt  }
0x7c: {  	_ =	shalt  }
0x7d: {  	_ =	shalt  }
0x7e: {  	_ =	shalt  }
0x7f: {  	_ =	shalt  }
0x80: {  	_ =	shalt  }
0x81: {  	_ =	shalt  }
0x82: {  	_ =	shalt  }
0x83: {  	_ =	shalt  }
0x84: {  	_ =	shalt  }
0x85: {  	_ =	shalt  }
0x86: {  	_ =	shalt  }
0x87: {  	_ =	shalt  }
.Lfunc_end0:
.L_simem_size_0:
called_computation.1_lowered:
.L_overlay_start_0:
0x88: {  	s2 =	sld [smem:$0x3FD9]  }
0x89: {  	s3 =	sld [smem:$0x3FFE];
	_ =	sdelay $0x1  }
0x8a: {  	s1 =	srdreg.scid  }
0x8b: {  	s0 =	sand.u32 $0x1, s1  }
0x8c: {  	s16 =	sshll.u32 s0, $0xA;
	s2 =	sadd.s32 s3, s2  }
0x8d: {  	s2 =	sadd.s32 s2, s16  }
0x8e: {  	[smem:$0x3FC1] =	sst s2  }
0x8f: {  	_ = 	snop  }
0x90: {  	(tm) =	ssettm $0x1  }
0x91: {  	s17 =	sld [smem:$0x3FFB];
	_ =	sdelay $0x3  }
0x92: {  	_ =	strace s17  }
0x93: {  	s2 =	sld [smem:$0x3FFC];
	_ =	sdelay $0x3  }
0x94: {  	_ =	strace s2  }
0x95: {  	s2 =	sld [smem:$0x3FFD];
	_ =	sdelay $0x3  }
0x96: {  	_ =	strace s2  }
0x97: {  	_ =	strace $0x8FFFFFFF  }
0x98: {  	s18 =	sld [smem:$0x3FDB];
	_ =	sdelay $0x1  }
0x99: {  	s19 =	simm.s32 $_scs_section_size  }
0x9a: {  	s4 =	simm.s32 $_size__tile_overlayer_lowered;
	s5 =	simm.s32 $_tile_overlayer_lowered  }
0x9b: {  	s22 =	simm.s32 $0x1BFF;
	s21 =	sshll.u32 s5, $0x1;
	s2 =	sadd.s32 s19, s18  }
0x9c: {  	s6 =	simm.s32 $0x0;
	s20 =	sshll.u32 s4, $0x1;
	s4 =	sadd.s32 s21, s2  }
0x9d: {  	[timem:s6], [sflag:s22] =	dma.local [hbm:s4], s20  }
0x9e: {  	_ =	swait.ge [sflag:s22], s20  }
0x9f: {  	s3 =	ssub.s32 $0x0, s20;
	[sflag:s22] =	ssyncset.done $0x0  }
0xa0: {  	[sflag:s22] =	ssyncadd.s32 s3;
	_ =	sdelay $0x1  }
0xa1: {  	s23 =	simm.s32 $0x1B8B  }
0xa2: {  	_ =	swait.ge [sflag:s23], $0x1  }
0xa3: {  	[sflag:s23] =	ssyncset.done $0x0  }
0xa4: {  	s25 =	simm.s32 $0x1B8E;
	s24 =	sld [smem:$0x3FFE];
	[sflag:s23] =	ssyncadd.s32 $0xFFFFFFFF  }
0xa5: {  	s26 =	simm.s32 $execute0_lowered;
	[smem:$0x3FD2] =	sst s25  }
0xa6: {  	s4 =	sshll.u32 s26, $0x1;
	_ =	strace $0x80000049;
	[dreg:$0x1] =	wrdreg $0xFFFFFFFF  }
0xa7: {  	s28 =	simm.s32 $_size_execute0_lowered;
	s2 =	sadd.s32 s2, s4;
	[dreg:$0x0] =	wrdreg $0x0  }
0xa8: {  	s4 =	sshll.u32 s28, $0x1;
	[dreg:$0x2] =	wrdreg s2  }
0xa9: {  	[dreg:$0x3] =	wrdreg s4  }
0xaa: {  	[dreg:$0x4] =	wrdreg $0xC0  }
0xab: {  	_ =	task [dreg:s6], $0x5FFFF  }
0xac: {  	[dreg:$0x1] =	wrdreg $0xFFFFFFFF  }
0xad: {  	[dreg:$0x0] =	wrdreg $0x60  }
0xae: {  	[dreg:$0x2] =	wrdreg s24  }
0xaf: {  	[dreg:$0x3] =	wrdreg $0x9  }
0xb0: {  	_ =	task.clear_ibuf [dreg:s6], $0x4FFFF;
	_ =	strace $0x90000049  }
0xb1: {  	s29 =	simm.s32 $0x9;
	_ =	strace $0x8000004B  }
0xb2: {  	_ =	swait.ge [sflag:s29], $0x1  }
0xb3: {  	[sflag:s29] =	ssyncadd.s32 $0xFFFFFFFF  }
0xb4: {  	_ =	strace $0x9000004B  }
0xb5: {  	_ =	sfence  }
0xb6: {  	s30 =	sld [smem:$0x0];
	_ =	sdelay $0x2  }
0xb7: {  	s31 =	sshll.u32 s1, $0xD;
	s1 =	sshrl.u32 s1, $0x2  }
0xb8: {  	s3 =	sand.u32 $0x4000, s31;
	s1 =	sadd.s32 s1, s30  }
0xb9: {  	s0 =	sor.u32 s3, s0;
	s1 =	sshll.u32 s1, $0x11  }
0xba: {  	s0 =	sor.u32 s1, s0  }
0xbb: {  	s0 =	sadd.s32 $0x8F2B, s0  }
0xbc: {  	[sflag:s0] =	ssyncadd.remote.s32 $0x1  }
0xbd: {  	_ =	sfence.sel $0xFFFF  }
0xbe: {  	[dreg:$0x0] =	wrdreg $0xFFFFFFFF;
	(pc) =	sbr.abs _section_cstart, $3  }
0xbf: {  	[dreg:$0x1] =	wrdreg $0xFFFFFFFF  }
0xc0: {  	_ =	task.clear_ibuf [dreg:s6], $0x2FFFF;
	_ =	strace $0x9FFFFFFF  }
0xc1: {  	(tm) =	ssettm $0x7FFFFFFF  }
tec
execute0_lowered:
.L_overlay_start_1:
0x0: {  	(tag) =	ssettag $0x1  }
0x1: {  	s1 =	srdreg.scid;
	s0 =	stileid.u32  }
0x2: {  	s4 =	rddreg [dreg:$0x0];
	s2 =	simm.s32 $0x0;
	s9 =	simm.s32 $0x2800  }
0x3: {  	s10 =	simm.s32 $0x2;
	s11 =	simm.s32 $0x2BC0;
	s12 =	simm.s32 $0x2940  }
0x4: {  	s13 =	simm.s32 $0x2A80;
	s14 =	simm.s32 $0x1;
	s15 =	simm.s32 $0x2D00  }
0x5: {  	s3 =	sand.u32 $0x1, s1;
	s5 =	sshll.u32 s0, $0x1;
	s1 =	rddreg [dreg:$0x1]  }
0x6: {  	s16 =	simm.s32 $0x0;
	[smem:$0x7FF] =	sst s2;
	s6 =	sor.u32 s3, s5  }
0x7: {  	_ =	strace $0x8000004A;
	s8 =	ssub.s32 $0x2, s3;
	s3 =	sadd.s32 $0x15400, s4  }
0x8: {  	s5 =	smul.u32 $0x28, s6;
	s7 =	sshll.u32 s6, $0x1;
	s31 =	sshrl.u32 s8, $0x1  }
0x9: {  	vm0 =	vmxor vm0, vm0;
	p0 =	seq.s32 s6, $0x0;
	s7 =	sadd.s32 s7, s4;
	s8 =	ssub.s32 s8, s31  }
0xa: {  	vm1 =	vmmov $0x1;
	vm0 =	vmneg @p0 vm0;
	s5 =	sadd.s32 s5, s4;
	s6 =	sadd.s32 $0x1A00, s7;
	s7 =	smax.u32 s8, $0x1  }
0xb: {  	s8 =	simm.s32 $0x140;
	vm0 =	vmand vm0, vm1;
	s4 =	sadd.s32 $0x51C00, s5;
	s5 =	sadd.s32 $0x51400, s5  }
.LBB2_1:
0xc: {  	[tilespmem:s2], [sflag:$0x2] =	stream.strided.gather [hbm4b:s4+s8], $0x2800, s9, s8, $0x38;
	[tilespmem:$0x2D10] =	vst v63  }
0xd: {  	_ =	swait.ge [sflag:s10], $0x2800  }
0xe: {  	[sflag:s10] =	ssyncset.done $0x0  }
0xf: {  	[sflag:s10] =	ssyncadd.s32 $0xFFFFD800  }
0x10: {  	[tilespmem:s11], [sflag:$0x2] =	stream.linear.gather [hbm4b:s5+s2], $0x140, $0x38;
	[tilespmem:$0x2D10] =	vst v63  }
0x11: {  	_ =	swait.ge [sflag:s10], $0x140  }
0x12: {  	[sflag:s10] =	ssyncset.done $0x0  }
0x13: {  	s18 =	simm.s32 $0x0;
	[sflag:s10] =	ssyncadd.s32 $0xFFFFFEC0  }
0x14: {  	v0 =	vld [tilespmem:s18+$0x0]  }
0x15: {  	v1 =	vld [tilespmem:s18+$0x140];
	_ =	sdelay $0x1  }
0x16: {  	v2 =	vld [tilespmem:s18+$0x280];
	_ =	sdelay $0x1  }
0x17: {  	v3 =	vld [tilespmem:s18+$0x3C0]  }
0x18: {  	vm1 =	vgt.s32 v0, v1  }
0x19: {  	v0 =	vsel vm1, v0, v1;
	v1 =	vld [tilespmem:s18+$0x500]  }
0x1a: {  	vm1 =	vgt.s32 v0, v2  }
0x1b: {  	v0 =	vsel vm1, v0, v2;
	v2 =	vld [tilespmem:s18+$0x640]  }
0x1c: {  	vm1 =	vgt.s32 v0, v3  }
0x1d: {  	v0 =	vsel vm1, v0, v3;
	v3 =	vld [tilespmem:s18+$0x780]  }
0x1e: {  	vm1 =	vgt.s32 v0, v1  }
0x1f: {  	v0 =	vsel vm1, v0, v1;
	v1 =	vld [tilespmem:s18+$0x8C0]  }
0x20: {  	vm1 =	vgt.s32 v0, v2  }
0x21: {  	v0 =	vsel vm1, v0, v2;
	v2 =	vld [tilespmem:s18+$0xA00]  }
0x22: {  	vm1 =	vgt.s32 v0, v3  }
0x23: {  	v0 =	vsel vm1, v0, v3;
	v3 =	vld [tilespmem:s18+$0xB40]  }
0x24: {  	vm1 =	vgt.s32 v0, v1  }
0x25: {  	v0 =	vsel vm1, v0, v1;
	v1 =	vld [tilespmem:s18+$0xC80]  }
0x26: {  	vm1 =	vgt.s32 v0, v2  }
0x27: {  	v0 =	vsel vm1, v0, v2;
	v2 =	vld [tilespmem:s18+$0xDC0]  }
0x28: {  	vm1 =	vgt.s32 v0, v3  }
0x29: {  	v0 =	vsel vm1, v0, v3;
	v3 =	vld [tilespmem:s18+$0xF00]  }
0x2a: {  	vm1 =	vgt.s32 v0, v1  }
0x2b: {  	v0 =	vsel vm1, v0, v1;
	v1 =	vld [tilespmem:s18+$0x1040]  }
0x2c: {  	vm1 =	vgt.s32 v0, v2  }
0x2d: {  	v0 =	vsel vm1, v0, v2;
	v2 =	vld [tilespmem:s18+$0x1180]  }
0x2e: {  	vm1 =	vgt.s32 v0, v3  }
0x2f: {  	v0 =	vsel vm1, v0, v3;
	v3 =	vld [tilespmem:s18+$0x12C0]  }
0x30: {  	v4 =	vld [tilespmem:s18+$0x1540];
	vm1 =	vgt.s32 v0, v1  }
0x31: {  	s17 =	simm.s32 $0x10;
	v0 =	vsel vm1, v0, v1;
	v1 =	vld [tilespmem:s18+$0x1400]  }
0x32: {  	v5 =	vld [tilespmem:s17+$0x0];
	vm1 =	vgt.s32 v0, v2  }
0x33: {  	v6 =	vld [tilespmem:s17+$0x140];
	v0 =	vsel vm1, v0, v2  }
0x34: {  	v7 =	vld [tilespmem:s17+$0x280];
	vm1 =	vgt.s32 v0, v3  }
0x35: {  	v2 =	vld [tilespmem:s18+$0x1680];
	v0 =	vsel vm1, v0, v3  }
0x36: {  	v8 =	vld [tilespmem:s17+$0x3C0];
	vm1 =	vgt.s32 v0, v1  }
0x37: {  	v3 =	vld [tilespmem:s18+$0x17C0];
	v0 =	vsel vm1, v0, v1  }
0x38: {  	vm1 =	vgt.s32 v5, v6;
	v1 =	vld [tilespmem:s18+$0x1900];
	vm2 =	vgt.s32 v0, v4  }
0x39: {  	v5 =	vsel vm1, v5, v6;
	v6 =	vld [tilespmem:s17+$0x500];
	v0 =	vsel vm2, v0, v4  }
0x3a: {  	vm1 =	vgt.s32 v5, v7;
	v4 =	vld [tilespmem:s18+$0x1A40];
	vm2 =	vgt.s32 v0, v2  }
0x3b: {  	v5 =	vsel vm1, v5, v7;
	v7 =	vld [tilespmem:s17+$0x640];
	v0 =	vsel vm2, v0, v2  }
0x3c: {  	vm1 =	vgt.s32 v5, v8;
	v2 =	vld [tilespmem:s18+$0x1B80];
	vm2 =	vgt.s32 v0, v3  }
0x3d: {  	v5 =	vsel vm1, v5, v8;
	v8 =	vld [tilespmem:s17+$0x780];
	v0 =	vsel vm2, v0, v3  }
0x3e: {  	vm1 =	vgt.s32 v5, v6;
	v3 =	vld [tilespmem:s18+$0x1CC0];
	vm2 =	vgt.s32 v0, v1  }
0x3f: {  	v5 =	vsel vm1, v5, v6;
	v6 =	vld [tilespmem:s17+$0x8C0];
	v0 =	vsel vm2, v0, v1  }
0x40: {  	vm1 =	vgt.s32 v5, v7;
	v1 =	vld [tilespmem:s18+$0x1E00];
	vm2 =	vgt.s32 v0, v4  }
0x41: {  	v5 =	vsel vm1, v5, v7;
	v7 =	vld [tilespmem:s17+$0xA00];
	v0 =	vsel vm2, v0, v4  }
0x42: {  	vm1 =	vgt.s32 v5, v8;
	v4 =	vld [tilespmem:s18+$0x1F40];
	vm2 =	vgt.s32 v0, v2  }
0x43: {  	v5 =	vsel vm1, v5, v8;
	v8 =	vld [tilespmem:s17+$0xB40];
	v0 =	vsel vm2, v0, v2  }
0x44: {  	vm1 =	vgt.s32 v5, v6;
	v2 =	vld [tilespmem:s18+$0x2080];
	vm2 =	vgt.s32 v0, v3  }
0x45: {  	v5 =	vsel vm1, v5, v6;
	v6 =	vld [tilespmem:s17+$0xC80];
	v0 =	vsel vm2, v0, v3  }
0x46: {  	v9 =	vld [tilespmem:s18+$0x21C0];
	vm1 =	vgt.s32 v5, v7;
	vm2 =	vgt.s32 v0, v1  }
0x47: {  	v3 =	vsel vm1, v5, v7;
	v5 =	vld [tilespmem:s17+$0xDC0];
	v0 =	vsel vm2, v0, v1  }
0x48: {  	v7 =	vld [tilespmem:s17+$0xF00];
	vm1 =	vgt.s32 v3, v8;
	vm2 =	vgt.s32 v0, v4  }
0x49: {  	v1 =	vld [tilespmem:s18+$0x2300];
	v3 =	vsel vm1, v3, v8;
	v0 =	vsel vm2, v0, v4  }
0x4a: {  	v8 =	vld [tilespmem:s18+$0x2440];
	vm1 =	vgt.s32 v3, v6;
	vm2 =	vgt.s32 v0, v2  }
0x4b: {  	v4 =	vsel vm1, v3, v6;
	v6 =	vld [tilespmem:s17+$0x1040];
	v0 =	vsel vm2, v0, v2  }
0x4c: {  	v3 =	vld [tilespmem:s18+$0x2580];
	vm1 =	vgt.s32 v4, v5;
	vm2 =	vgt.s32 v0, v9  }
0x4d: {  	v2 =	vld [tilespmem:s17+$0x1180];
	v4 =	vsel vm1, v4, v5;
	v0 =	vsel vm2, v0, v9  }
0x4e: {  	v5 =	vld [tilespmem:s18+$0x26C0];
	vm1 =	vgt.s32 v4, v7;
	vm2 =	vgt.s32 v0, v1  }
0x4f: {  	v7 =	vsel vm1, v4, v7;
	v4 =	vld [tilespmem:s17+$0x12C0];
	v1 =	vsel vm2, v0, v1  }
0x50: {  	vm1 =	vgt.s32 v7, v6;
	v0 =	vld [tilespmem:s17+$0x1540];
	vm2 =	vgt.s32 v1, v8  }
0x51: {  	s19 =	simm.s32 $0x20;
	v7 =	vsel vm1, v7, v6;
	v6 =	vld [tilespmem:s17+$0x1400];
	v8 =	vsel vm2, v1, v8  }
0x52: {  	s20 =	simm.s32 $0xC0;
	v1 =	vld [tilespmem:s19+$0x0];
	vm1 =	vgt.s32 v7, v2;
	vm2 =	vgt.s32 v8, v3  }
.LBB2_2:
0x53: {  	p0 =	sne.s32 s20, $0x4C0;
	v9 =	vld [tilespmem:s19+$0x140];
	v2 =	vsel vm1, v7, v2;
	v3 =	vsel vm2, v8, v3  }
0x54: {  	vm1 =	vgt.s32 v2, v4;
	v7 =	vld [tilespmem:s17+$0x1680];
	vm2 =	vgt.s32 v3, v5  }
0x55: {  	v8 =	vld [tilespmem:s19+$0x280];
	v2 =	vsel vm1, v2, v4;
	v3 =	vsel vm2, v3, v5  }
0x56: {  	vm1 =	vgt.s32 v2, v6;
	v4 =	vld [tilespmem:s17+$0x17C0];
	[tilespmem:s18+$0x2800] =	vst v3;
	vm2 =	vgt.s32 v3, $0x0  }
0x57: {  	v5 =	vld [tilespmem:s19+$0x3C0];
	v2 =	vsel vm1, v2, v6;
	v3 =	vnsel vm2, $0x0, v3  }
0x58: {  	vm1 =	vgt.s32 v1, v9;
	vm2 =	vgt.s32 v2, v0;
	v6 =	vld [tilespmem:s17+$0x1900];
	[tilespmem:s18+$0x2940] =	vst v3;
	s18 =	smov.u32 s17;
	s17 =	smov.u32 s19  }
0x59: {  	v1 =	vsel vm1, v1, v9;
	v3 =	vld [tilespmem:s17+$0x500];
	v0 =	vsel vm2, v2, v0  }
0x5a: {  	vm1 =	vgt.s32 v1, v8;
	vm2 =	vgt.s32 v0, v7;
	v2 =	vld [tilespmem:s18+$0x1A40]  }
0x5b: {  	v1 =	vsel vm1, v1, v8;
	v8 =	vld [tilespmem:s17+$0x640];
	v0 =	vsel vm2, v0, v7  }
0x5c: {  	vm1 =	vgt.s32 v1, v5;
	vm2 =	vgt.s32 v0, v4;
	v7 =	vld [tilespmem:s18+$0x1B80]  }
0x5d: {  	v1 =	vsel vm1, v1, v5;
	v5 =	vld [tilespmem:s17+$0x780];
	v0 =	vsel vm2, v0, v4  }
0x5e: {  	vm1 =	vgt.s32 v1, v3;
	vm2 =	vgt.s32 v0, v6;
	v4 =	vld [tilespmem:s18+$0x1CC0]  }
0x5f: {  	v1 =	vsel vm1, v1, v3;
	v3 =	vld [tilespmem:s17+$0x8C0];
	v0 =	vsel vm2, v0, v6  }
0x60: {  	vm1 =	vgt.s32 v1, v8;
	vm2 =	vgt.s32 v0, v2;
	v6 =	vld [tilespmem:s18+$0x1E00]  }
0x61: {  	v1 =	vsel vm1, v1, v8;
	v8 =	vld [tilespmem:s17+$0xA00];
	v0 =	vsel vm2, v0, v2  }
0x62: {  	vm1 =	vgt.s32 v1, v5;
	vm2 =	vgt.s32 v0, v7;
	v2 =	vld [tilespmem:s18+$0x1F40]  }
0x63: {  	v1 =	vsel vm1, v1, v5;
	v5 =	vld [tilespmem:s17+$0xB40];
	v0 =	vsel vm2, v0, v7  }
0x64: {  	vm1 =	vgt.s32 v1, v3;
	vm2 =	vgt.s32 v0, v4;
	v7 =	vld [tilespmem:s18+$0x2080]  }
0x65: {  	v1 =	vsel vm1, v1, v3;
	v3 =	vld [tilespmem:s17+$0xC80];
	v0 =	vsel vm2, v0, v4  }
0x66: {  	vm1 =	vgt.s32 v1, v8;
	vm2 =	vgt.s32 v0, v6;
	v4 =	vld [tilespmem:s18+$0x21C0]  }
0x67: {  	v1 =	vsel vm1, v1, v8;
	v8 =	vld [tilespmem:s17+$0xDC0];
	v0 =	vsel vm2, v0, v6  }
0x68: {  	vm1 =	vgt.s32 v1, v5;
	vm2 =	vgt.s32 v0, v2;
	v6 =	vld [tilespmem:s18+$0x2300]  }
0x69: {  	v1 =	vsel vm1, v1, v5;
	v9 =	vld [tilespmem:s17+$0xF00];
	v0 =	vsel vm2, v0, v2  }
0x6a: {  	vm1 =	vgt.s32 v1, v3;
	vm2 =	vgt.s32 v0, v7;
	v10 =	vld [tilespmem:s18+$0x2440]  }
0x6b: {  	v1 =	vsel vm1, v1, v3;
	v11 =	vld [tilespmem:s17+$0x1040];
	v0 =	vsel vm2, v0, v7  }
0x6c: {  	vm1 =	vgt.s32 v1, v8;
	vm2 =	vgt.s32 v0, v4;
	v3 =	vld [tilespmem:s18+$0x2580]  }
0x6d: {  	v1 =	vsel vm1, v1, v8;
	v2 =	vld [tilespmem:s17+$0x1180];
	v0 =	vsel vm2, v0, v4  }
.Ltmp0:
0x6e: {  	vm1 =	vgt.s32 v1, v9;
	vm2 =	vgt.s32 v0, v6;
	v5 =	vld [tilespmem:s18+$0x26C0];
	(pc) =	sbr.rel @p0 .LBB2_2-.Ltmp0, $4  }
0x6f: {  	v1 =	vsel vm1, v1, v9;
	v4 =	vld [tilespmem:s17+$0x12C0];
	v8 =	vsel vm2, v0, v6  }
0x70: {  	vm1 =	vgt.s32 v1, v11;
	v0 =	vld [tilespmem:s17+$0x1540];
	vm2 =	vgt.s32 v8, v10  }
0x71: {  	s19 =	sshra.s32 s20, $0x2;
	v7 =	vsel vm1, v1, v11;
	v6 =	vld [tilespmem:s17+$0x1400];
	v8 =	vsel vm2, v8, v10  }
0x72: {  	s20 =	sadd.s32 $0x40, s20;
	v1 =	vld [tilespmem:s19+$0x0];
	vm1 =	vgt.s32 v7, v2;
	vm2 =	vgt.s32 v8, v3  }
0x73: {  	v9 =	vld [tilespmem:s19+$0x140];
	v3 =	vsel vm2, v8, v3  }
0x74: {  	v60 =	vld [tilespmem:s17+$0x1680];
	vm2 =	vgt.s32 v3, v5  }
0x75: {  	v10 =	vld [tilespmem:s19+$0x280];
	v2 =	vsel vm1, v7, v2;
	v3 =	vsel vm2, v3, v5  }
0x76: {  	vm1 =	vgt.s32 v2, v4;
	v5 =	vld [tilespmem:s17+$0x17C0];
	[tilespmem:s18+$0x2800] =	vst v3;
	vm2 =	vgt.s32 v3, $0x0  }
0x77: {  	v2 =	vsel vm1, v2, v4;
	v7 =	vld [tilespmem:s19+$0x3C0];
	v3 =	vnsel vm2, $0x0, v3  }
0x78: {  	vm1 =	vgt.s32 v2, v6;
	v4 =	vld [tilespmem:s17+$0x1900];
	[tilespmem:s18+$0x2940] =	vst v3;
	vm2 =	vgt.s32 v1, v9  }
0x79: {  	v2 =	vsel vm1, v2, v6;
	v1 =	vsel vm2, v1, v9;
	v3 =	vld [tilespmem:s19+$0x500]  }
0x7a: {  	vm1 =	vgt.s32 v2, v0;
	vm2 =	vgt.s32 v1, v10  }
0x7b: {  	v0 =	vsel vm1, v2, v0;
	v2 =	vld [tilespmem:s19+$0x640];
	v1 =	vsel vm2, v1, v10  }
0x7c: {  	v6 =	vld [tilespmem:s17+$0x1A40];
	vm1 =	vgt.s32 v0, v60;
	vm2 =	vgt.s32 v1, v7  }
0x7d: {  	v0 =	vsel vm1, v0, v60;
	v1 =	vsel vm2, v1, v7;
	v7 =	vld [tilespmem:s19+$0x780]  }
0x7e: {  	v61 =	vld [tilespmem:s17+$0x1B80];
	vm1 =	vgt.s32 v0, v5;
	vm2 =	vgt.s32 v1, v3  }
0x7f: {  	v0 =	vsel vm1, v0, v5;
	v1 =	vsel vm2, v1, v3;
	v3 =	vld [tilespmem:s19+$0x8C0]  }
0x80: {  	v5 =	vld [tilespmem:s17+$0x1CC0];
	vm1 =	vgt.s32 v0, v4;
	vm2 =	vgt.s32 v1, v2  }
0x81: {  	v0 =	vsel vm1, v0, v4;
	v1 =	vsel vm2, v1, v2;
	v2 =	vld [tilespmem:s19+$0xA00]  }
0x82: {  	v4 =	vld [tilespmem:s17+$0x1E00];
	vm1 =	vgt.s32 v0, v6;
	vm2 =	vgt.s32 v1, v7  }
0x83: {  	v0 =	vsel vm1, v0, v6;
	v6 =	vld [tilespmem:s19+$0xB40];
	v1 =	vsel vm2, v1, v7  }
0x84: {  	vm1 =	vgt.s32 v0, v61;
	v7 =	vld [tilespmem:s17+$0x1F40];
	vm2 =	vgt.s32 v1, v3  }
0x85: {  	v0 =	vsel vm1, v0, v61;
	v1 =	vsel vm2, v1, v3;
	v3 =	vld [tilespmem:s19+$0xC80]  }
0x86: {  	v62 =	vld [tilespmem:s17+$0x2080];
	vm1 =	vgt.s32 v0, v5;
	vm2 =	vgt.s32 v1, v2  }
0x87: {  	v0 =	vsel vm1, v0, v5;
	v1 =	vsel vm2, v1, v2;
	v2 =	vld [tilespmem:s19+$0xDC0]  }
0x88: {  	v5 =	vld [tilespmem:s17+$0x21C0];
	vm1 =	vgt.s32 v0, v4;
	vm2 =	vgt.s32 v1, v6  }
0x89: {  	v0 =	vsel vm1, v0, v4;
	v4 =	vld [tilespmem:s19+$0xF00];
	v1 =	vsel vm2, v1, v6  }
0x8a: {  	vm1 =	vgt.s32 v0, v7;
	v6 =	vld [tilespmem:s17+$0x2300];
	vm2 =	vgt.s32 v1, v3  }
0x8b: {  	v0 =	vsel vm1, v0, v7;
	v1 =	vsel vm2, v1, v3;
	v3 =	vld [tilespmem:s19+$0x1040]  }
0x8c: {  	v7 =	vld [tilespmem:s17+$0x2440];
	vm1 =	vgt.s32 v0, v62;
	vm2 =	vgt.s32 v1, v2  }
0x8d: {  	v0 =	vsel vm1, v0, v62;
	v1 =	vsel vm2, v1, v2;
	v2 =	vld [tilespmem:s19+$0x1180]  }
0x8e: {  	v63 =	vld [tilespmem:s17+$0x2580];
	vm1 =	vgt.s32 v0, v5;
	vm2 =	vgt.s32 v1, v4  }
0x8f: {  	v0 =	vsel vm1, v0, v5;
	v1 =	vsel vm2, v1, v4;
	v4 =	vld [tilespmem:s19+$0x12C0]  }
0x90: {  	v5 =	vld [tilespmem:s17+$0x26C0];
	vm1 =	vgt.s32 v0, v6;
	vm2 =	vgt.s32 v1, v3  }
0x91: {  	v0 =	vsel vm1, v0, v6;
	v1 =	vsel vm2, v1, v3;
	v3 =	vld [tilespmem:s19+$0x1400]  }
0x92: {  	vm1 =	vgt.s32 v0, v7;
	vm2 =	vgt.s32 v1, v2  }
0x93: {  	v6 =	vld [tilespmem:s19+$0x1540];
	v0 =	vsel vm1, v0, v7;
	v1 =	vsel vm2, v1, v2  }
0x94: {  	vm1 =	vgt.s32 v0, v63;
	vm2 =	vgt.s32 v1, v4  }
0x95: {  	v0 =	vsel vm1, v0, v63;
	v2 =	vld [tilespmem:s19+$0x1680];
	v1 =	vsel vm2, v1, v4  }
0x96: {  	vm1 =	vgt.s32 v0, v5;
	vm2 =	vgt.s32 v1, v3  }
0x97: {  	v0 =	vsel vm1, v0, v5;
	v4 =	vld [tilespmem:s19+$0x17C0];
	v1 =	vsel vm2, v1, v3  }
0x98: {  	[tilespmem:s17+$0x2800] =	vst v0;
	vm1 =	vgt.s32 v0, $0x0;
	vm2 =	vgt.s32 v1, v6  }
0x99: {  	v0 =	vnsel vm1, $0x0, v0;
	v3 =	vld [tilespmem:s19+$0x1900];
	v1 =	vsel vm2, v1, v6  }
0x9a: {  	[tilespmem:s17+$0x2940] =	vst v0;
	vm1 =	vgt.s32 v1, v2  }
0x9b: {  	v0 =	vld [tilespmem:s19+$0x1A40];
	v1 =	vsel vm1, v1, v2  }
0x9c: {  	vm1 =	vgt.s32 v1, v4  }
0x9d: {  	v2 =	vld [tilespmem:s19+$0x1B80];
	v1 =	vsel vm1, v1, v4  }
0x9e: {  	vm1 =	vgt.s32 v1, v3  }
0x9f: {  	v4 =	vld [tilespmem:s19+$0x1CC0];
	v1 =	vsel vm1, v1, v3  }
0xa0: {  	vm1 =	vgt.s32 v1, v0  }
0xa1: {  	v3 =	vld [tilespmem:s19+$0x1E00];
	v0 =	vsel vm1, v1, v0  }
0xa2: {  	vm1 =	vgt.s32 v0, v2  }
0xa3: {  	v1 =	vld [tilespmem:s19+$0x1F40];
	v0 =	vsel vm1, v0, v2  }
0xa4: {  	vm1 =	vgt.s32 v0, v4  }
0xa5: {  	v2 =	vld [tilespmem:s19+$0x2080];
	v0 =	vsel vm1, v0, v4  }
0xa6: {  	vm1 =	vgt.s32 v0, v3  }
0xa7: {  	v4 =	vld [tilespmem:s19+$0x21C0];
	v0 =	vsel vm1, v0, v3  }
0xa8: {  	vm1 =	vgt.s32 v0, v1  }
0xa9: {  	v3 =	vld [tilespmem:s19+$0x2300];
	v0 =	vsel vm1, v0, v1  }
0xaa: {  	vm1 =	vgt.s32 v0, v2  }
0xab: {  	v1 =	vld [tilespmem:s19+$0x2440];
	v0 =	vsel vm1, v0, v2  }
0xac: {  	vm1 =	vgt.s32 v0, v4  }
0xad: {  	v2 =	vld [tilespmem:s19+$0x2580];
	v0 =	vsel vm1, v0, v4  }
0xae: {  	vm1 =	vgt.s32 v0, v3  }
0xaf: {  	v4 =	vld [tilespmem:s19+$0x26C0];
	v0 =	vsel vm1, v0, v3  }
0xb0: {  	vm1 =	vgt.s32 v0, v1  }
0xb1: {  	v0 =	vsel vm1, v0, v1  }
0xb2: {  	vm1 =	vgt.s32 v0, v2  }
0xb3: {  	v0 =	vsel vm1, v0, v2  }
0xb4: {  	vm1 =	vgt.s32 v0, v4  }
0xb5: {  	v0 =	vsel vm1, v0, v4  }
0xb6: {  	vm1 =	vgt.s32 v0, $0x0  }
0xb7: {  	[tilespmem:s19+$0x2800] =	vst v0;
	v0 =	vnsel vm1, $0x0, v0  }
0xb8: {  	[tilespmem:s19+$0x2940] =	vst v0  }
0xb9: {  	v0 =	vld [tilespmem:$0x2800]  }
0xba: {  	v1 =	vld [tilespmem:$0x2940];
	_ =	sdelay $0x3  }
0xbb: {  	v2 =	vbroadcast v0, $0x1  }
0xbc: {  	v3 =	vbroadcast v1, $0x1  }
0xbd: {  	v0 =	vsel vm0, v2, v0  }
0xbe: {  	[tilespmem:$0x2800] =	vst v0;
	v0 =	vsel vm0, v3, v1  }
0xbf: {  	[tilespmem:$0x2940] =	vst v0  }
0xc0: {  	[tilespmem:s13], [sflag:$0x1] =	stream.indirect.gather [hbm4b:s3+s8], $0x1, s12, s8, $0xb8;
	[tilespmem:$0x2D10] =	vst v63  }
0xc1: {  	_ =	swait.ge [sflag:s14], $0x140  }
0xc2: {  	[sflag:s14] =	ssyncset.done $0x0  }
0xc3: {  	s31 =	simm.s32 $0x0;
	[sflag:s14] =	ssyncadd.s32 $0xFFFFFEC0  }
0xc4: {  	v0 =	vld [tilespmem:s31+$0x2800]  }
0xc5: {  	v1 =	vld [tilespmem:s31+$0x2A80];
	_ =	sdelay $0x3  }
0xc6: {  	vm1 =	vlt.s32 v0, $0x0  }
0xc7: {  	s20 =	simm.s32 $0x10;
	v0 =	vsel vm1, $0x3F800000, v1  }
0xc8: {  	v1 =	vld [tilespmem:s20+$0x2800];
	v0 =	vmul.f32 v0, v0  }
0xc9: {  	v2 =	vld [tilespmem:s20+$0x2A80]  }
0xca: {  	v0 =	vmul.f32 v0, v0  }
0xcb: {  	s17 =	simm.s32 $0x20  }
0xcc: {  	(erf) = vrcp.f32 v0;
	v0 =	vld [tilespmem:s17+$0x2800]  }
0xcd: {  	vm1 =	vlt.s32 v1, $0x0  }
0xce: {  	v1 =	vsel vm1, $0x3F800000, v2  }
0xcf: {  	v3 =	vld [tilespmem:s17+$0x2A80];
	v1 =	vmul.f32 v1, v1;
	_ =	sdelay $0x1  }
0xd0: {  	vm1 =	vlt.s32 v0, $0x0;
	v0 =	vmul.f32 v1, v1  }
0xd1: {  	v4 =	vld [tilespmem:s31+$0x2BC0]  }
0xd2: {  	s18 =	simm.s32 $0x30;
	(erf) = vrcp.f32 v0  }
0xd3: {  	v2 =	vld [tilespmem:s18+$0x2800];
	v1 =	vsel vm1, $0x3F800000, v3  }
0xd4: {  	v3 =	vld [tilespmem:s18+$0x2A80];
	v1 =	vmul.f32 v1, v1  }
0xd5: {  	v6 =	vpop (erf)  }
0xd6: {  	v5 =	vmul.f32 v1, v1;
	v4 =	vmul.f32 v6, v4  }
0xd7: {  	s19 =	simm.s32 $0x100;
	v0 =	vimm.f32 $0.0e+00;
	v1 =	vld [tilespmem:s20+$0x2BC0]  }
.LBB2_4:
0xd8: {  	s20 =	sshra.s32 s19, $0x2;
	p0 =	sne.s32 s19, $0x4C0;
	s19 =	sadd.s32 $0x40, s19;
	vm1 =	vlt.s32 v2, $0x0;
	(erf) = vrcp.f32 v5;
	v0 =	vadd.f32 v4, v0  }
.Ltmp1:
0xd9: {  	v2 =	vld [tilespmem:s20+$0x2800];
	v4 =	vsel vm1, $0x3F800000, v3;
	(pc) =	sbr.rel @p0 .LBB2_4-.Ltmp1, $4  }
0xda: {  	v3 =	vld [tilespmem:s20+$0x2A80];
	v4 =	vmul.f32 v4, v4  }
0xdb: {  	v6 =	vpop (erf)  }
0xdc: {  	v5 =	vmul.f32 v4, v4;
	v4 =	vmul.f32 v6, v1  }
0xdd: {  	v1 =	vld [tilespmem:s17+$0x2BC0];
	s17 =	smov.u32 s18;
	s18 =	smov.u32 s20  }
0xde: {  	vm1 =	vlt.s32 v2, $0x0  }
0xdf: {  	v2 =	vsel vm1, $0x3F800000, v3  }
0xe0: {  	v2 =	vmul.f32 v2, v2;
	_ =	sdelay $0x1  }
0xe1: {  	(erf) = vrcp.f32 v5;
	v2 =	vmul.f32 v2, v2;
	_ =	sdelay $0x1  }
0xe2: {  	(erf) = vrcp.f32 v2;
	_ =	sdelay $0x2  }
0xe3: {  	v57 =	vld [tilespmem:s17+$0x2BC0];
	_ =	sdelay $0x1  }
0xe4: {  	v59 =	vld [tilespmem:s18+$0x2BC0];
	v58 =	vpop (erf)  }
0xe5: {  	v0 =	vadd.f32 v4, v0;
	v1 =	vmul.f32 v58, v1  }
0xe6: {  	v60 =	vpop (erf)  }
0xe7: {  	v0 =	vadd.f32 v1, v0;
	v61 =	vmul.f32 v60, v57  }
0xe8: {  	v62 =	vpop (erf)  }
0xe9: {  	v0 =	vadd.f32 v61, v0;
	v63 =	vmul.f32 v62, v59;
	_ =	sdelay $0x1  }
0xea: {  	s16 =	sadd.s32 $0x1, s16;
	v0 =	vadd.f32 v63, v0  }
0xeb: {  	p0 =	sne.s32 s16, s7  }
.Ltmp2:
0xec: {  	[tilespmem:$0x2D00] =	vst v0;
	(pc) =	sbr.rel @p0 .LBB2_1-.Ltmp2, $4  }
0xed: {  	[hbm4b:s6+s2] =	stream.linear.scatter [tilespmem:s15], [sflag:$0x2], $0x10, $0x38;
	[tilespmem:$0x2D10] =	vst v63  }
0xee: {  	_ =	swait.ge [sflag:s10], $0x10  }
0xef: {  	[sflag:s10] =	ssyncset.done $0x0  }
0xf0: {  	[sflag:s10] =	ssyncadd.s32 $0xFFFFFFF0  }
0xf1: {  	_ =	sfence.sel $0x180000  }
0xf2: {  	[bflag:$0x0] =	sbarrier.arrive $0xFFFF  }
0xf3: {  	p0 =	sne.s32 s0, $0x0;
	_ =	strace $0x9000004A  }
0xf4: {  	s0 =	sadd.s32 @!p0 $0x100000, s1;
	[bflag:$0x2] =	sbarrier.arrive $0xFFFF  }
0xf5: {  	[sflag:s0] =	ssyncadd.tile.s32 @!p0 $0x1;
	_ =	shalt  }
.Lfunc_end2:
_tile_overlayer_lowered:
.L_overlay_start_2:
0xf6: {  	(tag) =	ssettag $0x2  }
0xf7: {  	s0 =	rddreg [dreg:$0x0];
	s2 =	stileid.u32  }
0xf8: {  	s1 =	rddreg [dreg:$0x1];
	p0 =	sne.s32 s2, $0x0  }
0xf9: {  	s3 =	rddreg [dreg:$0x2];
	[bflag:$0x3] =	sbarrier.arrive $0xFFFF;
	s2 =	simm.s32 @!p0 $0x1C02  }
0xfa: {  	[timem:s3], [sflag:s2] =	dma.local @!p0 [hbm:s0], s1  }
0xfb: {  	s0 =	simm.s32 @!p0 $0x2  }
0xfc: {  	_ =	swait.ge @!p0 [sflag:s0], s1  }
0xfd: {  	s1 =	ssub.s32 @!p0 $0x0, s1;
	[sflag:s0] =	ssyncset.done @!p0 $0x0  }
0xfe: {  	[sflag:s0] =	ssyncadd.s32 @!p0 s1  }
0xff: {  	[bflag:$0x3] =	sbarrier.arrive $0xFFFF  }
0x100: {  	_ =	shalt  }

</sc_bundles>
